<compile_context>
chip_gen: v7x
topology: tpu7x:2x2x1
jax: 0.10.2.dev20260603
libtpu: 0.0.44.dev20260713+nightly
codegen_flags: <defaults>
</compile_context>

<pallas_src>
import functools

import jax
import jax.numpy as jnp
from jax import lax
from jax.experimental import pallas as pl
from jax.experimental.pallas import tpu as pltpu
from jax.experimental.pallas import tpu_sc as plsc


def _build_gather(n_total, d, chunk, nbuf):
    info = plsc.get_sparse_core_info()
    num_workers = info.num_cores * info.num_subcores
    n_per_w = n_total // num_workers
    n_chunks = n_per_w // chunk
    n_groups = n_chunks // nbuf
    assert n_total % num_workers == 0
    assert n_per_w % chunk == 0 and n_chunks % nbuf == 0

    mesh = plsc.VectorSubcoreMesh(core_axis_name="c", subcore_axis_name="s")

    @functools.partial(
        pl.kernel,
        mesh=mesh,
        out_type=jax.ShapeDtypeStruct((n_total, d), jnp.float32),
        scratch_types=[
            pltpu.VMEM((n_per_w,), jnp.int32),
            pltpu.VMEM((nbuf, chunk, d), jnp.float32),
        ]
        + [pltpu.SemaphoreType.DMA] * (2 * nbuf),
    )
    def gather_kernel(ids_hbm, table_hbm, out_hbm, idx_v, rows_v, *sems):
        gsem = sems[:nbuf]
        wsem = sems[nbuf:]
        wid = lax.axis_index("s") * info.num_cores + lax.axis_index("c")
        base = wid * n_per_w
        pltpu.sync_copy(ids_hbm.at[pl.ds(base, n_per_w)], idx_v)

        def fire_gather(c, b):
            off = pl.multiple_of(c * chunk, chunk)
            pltpu.async_copy(
                table_hbm.at[idx_v.at[pl.ds(off, chunk)]], rows_v.at[b], gsem[b]
            )

        def fire_write(c, b):
            off = pl.multiple_of(c * chunk, chunk)
            pltpu.async_copy(
                rows_v.at[b], out_hbm.at[pl.ds(base + off, chunk)], wsem[b]
            )

        for b in range(nbuf):
            fire_gather(b, b)

        def body(g, carry):
            for b in range(nbuf):
                c = g * nbuf + b
                pltpu.make_async_copy(
                    table_hbm.at[idx_v.at[pl.ds(0, chunk)]], rows_v.at[b], gsem[b]
                ).wait()
                fire_write(c, b)
            for b in range(nbuf):
                pltpu.make_async_copy(
                    rows_v.at[b],
                    out_hbm.at[pl.ds(base, chunk)],
                    wsem[b],
                ).wait()

                @pl.when(g + 1 < n_groups)
                def _():
                    fire_gather((g + 1) * nbuf + b, b)

            return carry

        lax.fori_loop(0, n_groups, body, 0)

    return gather_kernel


def kernel(input_ids, table):
    b, s = input_ids.shape
    v, d = table.shape
    n_total = b * s
    flat_ids = input_ids.T.reshape(n_total).astype(jnp.int32)
    gather = _build_gather(n_total, d, chunk=64, nbuf=10)
    out = gather(flat_ids, table)
    return out.reshape(s, b, d).transpose(1, 0, 2)

# --- scband reference (transcript-rebuilt; emitter-appended) ---
"""Pipeline reference for scband-soft-prompt-embedding-89266600280765 (READ-ONLY COPY).

The authoritative reference and input builder live on the scoring server;
editing this copy changes nothing except your own understanding.
"""

import jax, jax.numpy as jnp
import numpy as np

NUM_PROMPTS = 100000
EMBED_DIM = 128
BATCH = 4096
SEQ = 50

def setup_inputs(seed: int = 0) -> dict:
    key = jax.random.key(seed)
    k_ids, k_tab = jax.random.split(key)
    input_ids = jax.random.randint(k_ids, (BATCH, SEQ), 0, NUM_PROMPTS, dtype=jnp.int64 if jax.config.jax_enable_x64 else jnp.int32)
    table = jax.random.normal(k_tab, (NUM_PROMPTS, EMBED_DIM), dtype=jnp.float32) * 0.02
    return {"input_ids": input_ids, "table": table}

def reference(input_ids, table):
    # SoftPromptEmbedding.forward: embedding lookup table[input_ids]
    return jnp.take(table, input_ids, axis=0)

if __name__ == "__main__":
    import jax
    _d = setup_inputs()
    print(jax.jit(kernel)(*tuple(_d.values())))

</pallas_src>

<mosaic_0001>
#map = affine_map<(d0, d1) -> (0)>
#map1 = affine_map<(d0, d1) -> (0, 0)>
module attributes {stable_mosaic.version = 14 : i64} {
  func.func @gather_kernel(%arg0: i32, %arg1: i32, %arg2: memref<204800xi32, #tpu.memory_space<hbm>>, %arg3: memref<100000x128xf32, #tpu.memory_space<hbm>>, %arg4: memref<204800x128xf32, #tpu.memory_space<hbm>>, %arg5: memref<6400xi32, #tpu.memory_space<vmem>>, %arg6: memref<10x64x128xf32, #tpu.memory_space<vmem>>, %arg7: memref<!tpu.dma_semaphore, #tpu.memory_space<semaphore_mem>>, %arg8: memref<!tpu.dma_semaphore, #tpu.memory_space<semaphore_mem>>, %arg9: memref<!tpu.dma_semaphore, #tpu.memory_space<semaphore_mem>>, %arg10: memref<!tpu.dma_semaphore, #tpu.memory_space<semaphore_mem>>, %arg11: memref<!tpu.dma_semaphore, #tpu.memory_space<semaphore_mem>>, %arg12: memref<!tpu.dma_semaphore, #tpu.memory_space<semaphore_mem>>, %arg13: memref<!tpu.dma_semaphore, #tpu.memory_space<semaphore_mem>>, %arg14: memref<!tpu.dma_semaphore, #tpu.memory_space<semaphore_mem>>, %arg15: memref<!tpu.dma_semaphore, #tpu.memory_space<semaphore_mem>>, %arg16: memref<!tpu.dma_semaphore, #tpu.memory_space<semaphore_mem>>, %arg17: memref<!tpu.dma_semaphore, #tpu.memory_space<semaphore_mem>>, %arg18: memref<!tpu.dma_semaphore, #tpu.memory_space<semaphore_mem>>, %arg19: memref<!tpu.dma_semaphore, #tpu.memory_space<semaphore_mem>>, %arg20: memref<!tpu.dma_semaphore, #tpu.memory_space<semaphore_mem>>, %arg21: memref<!tpu.dma_semaphore, #tpu.memory_space<semaphore_mem>>, %arg22: memref<!tpu.dma_semaphore, #tpu.memory_space<semaphore_mem>>, %arg23: memref<!tpu.dma_semaphore, #tpu.memory_space<semaphore_mem>>, %arg24: memref<!tpu.dma_semaphore, #tpu.memory_space<semaphore_mem>>, %arg25: memref<!tpu.dma_semaphore, #tpu.memory_space<semaphore_mem>>, %arg26: memref<!tpu.dma_semaphore, #tpu.memory_space<semaphore_mem>>) attributes {dimension_semantics = [#tpu.dimension_semantics<core_parallel>, #tpu.dimension_semantics<subcore_parallel>], iteration_bounds = array<i64: 2, 16>, scalar_prefetch = 0 : i64, scratch_operands = 22 : i64, tpu.core_type = #tpu.core_type<sc_vector_subcore>, window_params = [{transform_indices = #map}, {transform_indices = #map1}, {transform_indices = #map1}]} {
    %mul3A = arith.constant 2 : i32
    %mul3A_0 = arith.muli %arg1, %mul3A : i32
    %add3A = arith.addi %mul3A_0, %arg0 : i32
    %mul3A_1 = arith.constant 6400 : i32
    %mul3A_2 = arith.muli %add3A, %mul3A_1 : i32
    "tpu.region"() ({
      %run_scoped3A = tpu.sem_alloc : memref<!tpu.dma_semaphore, #tpu.memory_space<semaphore_mem>>
      %dma_start3A_116 = tpu.memref_slice %arg2[%mul3A_2] : memref<204800xi32, #tpu.memory_space<hbm>> -> memref<6400xi32, #tpu.memory_space<hbm>>
      %dma_start3A_117 = tpu.memref_slice %arg2[%mul3A_2] : memref<204800xi32, #tpu.memory_space<hbm>> -> memref<6400xi32, #tpu.memory_space<hbm>>
      tpu.enqueue_dma source(%dma_start3A_117 : memref<6400xi32, #tpu.memory_space<hbm>>) target(%arg5 : memref<6400xi32, #tpu.memory_space<vmem>>) target_semaphore(%run_scoped3A : memref<!tpu.dma_semaphore, #tpu.memory_space<semaphore_mem>>)
      %dma_wait3A = tpu.memref_slice %arg2[%mul3A_2] : memref<204800xi32, #tpu.memory_space<hbm>> -> memref<6400xi32, #tpu.memory_space<hbm>>
      %dma_wait3A_118 = tpu.memref_slice %arg2[%mul3A_2] : memref<204800xi32, #tpu.memory_space<hbm>> -> memref<6400xi32, #tpu.memory_space<hbm>>
      tpu.wait_dma2 semaphore(%run_scoped3A : memref<!tpu.dma_semaphore, #tpu.memory_space<semaphore_mem>>) src(%dma_wait3A_118 : memref<6400xi32, #tpu.memory_space<hbm>>) dst(%arg5 : memref<6400xi32, #tpu.memory_space<vmem>>)
      tpu.yield
    }) : () -> ()
    %multiple_of3A = arith.constant 0 : i32
    %multiple_of3A_3 = tpu.assume_multiple %multiple_of3A, 64 : i32
    %dma_start3A = arith.constant 0 : i32
    %dma_start3A_4 = arith.constant 0 : i32
    %dma_start3A_5 = arith.constant 0 : i32
    %dma_start3A_6 = tpu.memref_slice %arg6[%dma_start3A, %dma_start3A_4, %dma_start3A_5] : memref<10x64x128xf32, #tpu.memory_space<vmem>> -> memref<1x64x128xf32, #tpu.memory_space<vmem>>
    %dma_start3A_7 = tpu.memref_squeeze %dma_start3A_6 : memref<1x64x128xf32, #tpu.memory_space<vmem>> -> memref<64x128xf32, #tpu.memory_space<vmem>>
    %dma_start3A_8 = tpu.memref_slice %arg5[%multiple_of3A_3] : memref<6400xi32, #tpu.memory_space<vmem>> -> memref<64xi32, #tpu.memory_space<vmem>>
    %dma_start3A_9 = arith.constant 0 : i32
    %dma_start3A_10 = arith.constant 0 : i32
    %dma_start3A_11 = tpu.memref_slice %arg3[%dma_start3A_9, %dma_start3A_10] : memref<100000x128xf32, #tpu.memory_space<hbm>> -> memref<100000x128xf32, #tpu.memory_space<hbm>>
    tpu.enqueue_indirect_dma source(%dma_start3A_11 : memref<100000x128xf32, #tpu.memory_space<hbm>>) target(%dma_start3A_7 : memref<64x128xf32, #tpu.memory_space<vmem>>) offsets(%dma_start3A_8 : memref<64xi32, #tpu.memory_space<vmem>>) semaphore(%arg7 : memref<!tpu.dma_semaphore, #tpu.memory_space<semaphore_mem>>)
    %multiple_of3A_12 = arith.constant 64 : i32
    %multiple_of3A_13 = tpu.assume_multiple %multiple_of3A_12, 64 : i32
    %dma_start3A_14 = arith.constant 1 : i32
    %dma_start3A_15 = arith.constant 0 : i32
    %dma_start3A_16 = arith.constant 0 : i32
    %dma_start3A_17 = tpu.memref_slice %arg6[%dma_start3A_14, %dma_start3A_15, %dma_start3A_16] : memref<10x64x128xf32, #tpu.memory_space<vmem>> -> memref<1x64x128xf32, #tpu.memory_space<vmem>>
    %dma_start3A_18 = tpu.memref_squeeze %dma_start3A_17 : memref<1x64x128xf32, #tpu.memory_space<vmem>> -> memref<64x128xf32, #tpu.memory_space<vmem>>
    %dma_start3A_19 = tpu.memref_slice %arg5[%multiple_of3A_13] : memref<6400xi32, #tpu.memory_space<vmem>> -> memref<64xi32, #tpu.memory_space<vmem>>
    %dma_start3A_20 = arith.constant 0 : i32
    %dma_start3A_21 = arith.constant 0 : i32
    %dma_start3A_22 = tpu.memref_slice %arg3[%dma_start3A_20, %dma_start3A_21] : memref<100000x128xf32, #tpu.memory_space<hbm>> -> memref<100000x128xf32, #tpu.memory_space<hbm>>
    tpu.enqueue_indirect_dma source(%dma_start3A_22 : memref<100000x128xf32, #tpu.memory_space<hbm>>) target(%dma_start3A_18 : memref<64x128xf32, #tpu.memory_space<vmem>>) offsets(%dma_start3A_19 : memref<64xi32, #tpu.memory_space<vmem>>) semaphore(%arg8 : memref<!tpu.dma_semaphore, #tpu.memory_space<semaphore_mem>>)
    %multiple_of3A_23 = arith.constant 128 : i32
    %multiple_of3A_24 = tpu.assume_multiple %multiple_of3A_23, 64 : i32
    %dma_start3A_25 = arith.constant 2 : i32
    %dma_start3A_26 = arith.constant 0 : i32
    %dma_start3A_27 = arith.constant 0 : i32
    %dma_start3A_28 = tpu.memref_slice %arg6[%dma_start3A_25, %dma_start3A_26, %dma_start3A_27] : memref<10x64x128xf32, #tpu.memory_space<vmem>> -> memref<1x64x128xf32, #tpu.memory_space<vmem>>
    %dma_start3A_29 = tpu.memref_squeeze %dma_start3A_28 : memref<1x64x128xf32, #tpu.memory_space<vmem>> -> memref<64x128xf32, #tpu.memory_space<vmem>>
    %dma_start3A_30 = tpu.memref_slice %arg5[%multiple_of3A_24] : memref<6400xi32, #tpu.memory_space<vmem>> -> memref<64xi32, #tpu.memory_space<vmem>>
    %dma_start3A_31 = arith.constant 0 : i32
    %dma_start3A_32 = arith.constant 0 : i32
    %dma_start3A_33 = tpu.memref_slice %arg3[%dma_start3A_31, %dma_start3A_32] : memref<100000x128xf32, #tpu.memory_space<hbm>> -> memref<100000x128xf32, #tpu.memory_space<hbm>>
    tpu.enqueue_indirect_dma source(%dma_start3A_33 : memref<100000x128xf32, #tpu.memory_space<hbm>>) target(%dma_start3A_29 : memref<64x128xf32, #tpu.memory_space<vmem>>) offsets(%dma_start3A_30 : memref<64xi32, #tpu.memory_space<vmem>>) semaphore(%arg9 : memref<!tpu.dma_semaphore, #tpu.memory_space<semaphore_mem>>)
    %multiple_of3A_34 = arith.constant 192 : i32
    %multiple_of3A_35 = tpu.assume_multiple %multiple_of3A_34, 64 : i32
    %dma_start3A_36 = arith.constant 3 : i32
    %dma_start3A_37 = arith.constant 0 : i32
    %dma_start3A_38 = arith.constant 0 : i32
    %dma_start3A_39 = tpu.memref_slice %arg6[%dma_start3A_36, %dma_start3A_37, %dma_start3A_38] : memref<10x64x128xf32, #tpu.memory_space<vmem>> -> memref<1x64x128xf32, #tpu.memory_space<vmem>>
    %dma_start3A_40 = tpu.memref_squeeze %dma_start3A_39 : memref<1x64x128xf32, #tpu.memory_space<vmem>> -> memref<64x128xf32, #tpu.memory_space<vmem>>
    %dma_start3A_41 = tpu.memref_slice %arg5[%multiple_of3A_35] : memref<6400xi32, #tpu.memory_space<vmem>> -> memref<64xi32, #tpu.memory_space<vmem>>
    %dma_start3A_42 = arith.constant 0 : i32
    %dma_start3A_43 = arith.constant 0 : i32
    %dma_start3A_44 = tpu.memref_slice %arg3[%dma_start3A_42, %dma_start3A_43] : memref<100000x128xf32, #tpu.memory_space<hbm>> -> memref<100000x128xf32, #tpu.memory_space<hbm>>
    tpu.enqueue_indirect_dma source(%dma_start3A_44 : memref<100000x128xf32, #tpu.memory_space<hbm>>) target(%dma_start3A_40 : memref<64x128xf32, #tpu.memory_space<vmem>>) offsets(%dma_start3A_41 : memref<64xi32, #tpu.memory_space<vmem>>) semaphore(%arg10 : memref<!tpu.dma_semaphore, #tpu.memory_space<semaphore_mem>>)
    %multiple_of3A_45 = arith.constant 256 : i32
    %multiple_of3A_46 = tpu.assume_multiple %multiple_of3A_45, 64 : i32
    %dma_start3A_47 = arith.constant 4 : i32
    %dma_start3A_48 = arith.constant 0 : i32
    %dma_start3A_49 = arith.constant 0 : i32
    %dma_start3A_50 = tpu.memref_slice %arg6[%dma_start3A_47, %dma_start3A_48, %dma_start3A_49] : memref<10x64x128xf32, #tpu.memory_space<vmem>> -> memref<1x64x128xf32, #tpu.memory_space<vmem>>
    %dma_start3A_51 = tpu.memref_squeeze %dma_start3A_50 : memref<1x64x128xf32, #tpu.memory_space<vmem>> -> memref<64x128xf32, #tpu.memory_space<vmem>>
    %dma_start3A_52 = tpu.memref_slice %arg5[%multiple_of3A_46] : memref<6400xi32, #tpu.memory_space<vmem>> -> memref<64xi32, #tpu.memory_space<vmem>>
    %dma_start3A_53 = arith.constant 0 : i32
    %dma_start3A_54 = arith.constant 0 : i32
    %dma_start3A_55 = tpu.memref_slice %arg3[%dma_start3A_53, %dma_start3A_54] : memref<100000x128xf32, #tpu.memory_space<hbm>> -> memref<100000x128xf32, #tpu.memory_space<hbm>>
    tpu.enqueue_indirect_dma source(%dma_start3A_55 : memref<100000x128xf32, #tpu.memory_space<hbm>>) target(%dma_start3A_51 : memref<64x128xf32, #tpu.memory_space<vmem>>) offsets(%dma_start3A_52 : memref<64xi32, #tpu.memory_space<vmem>>) semaphore(%arg11 : memref<!tpu.dma_semaphore, #tpu.memory_space<semaphore_mem>>)
    %multiple_of3A_56 = arith.constant 320 : i32
    %multiple_of3A_57 = tpu.assume_multiple %multiple_of3A_56, 64 : i32
    %dma_start3A_58 = arith.constant 5 : i32
    %dma_start3A_59 = arith.constant 0 : i32
    %dma_start3A_60 = arith.constant 0 : i32
    %dma_start3A_61 = tpu.memref_slice %arg6[%dma_start3A_58, %dma_start3A_59, %dma_start3A_60] : memref<10x64x128xf32, #tpu.memory_space<vmem>> -> memref<1x64x128xf32, #tpu.memory_space<vmem>>
    %dma_start3A_62 = tpu.memref_squeeze %dma_start3A_61 : memref<1x64x128xf32, #tpu.memory_space<vmem>> -> memref<64x128xf32, #tpu.memory_space<vmem>>
    %dma_start3A_63 = tpu.memref_slice %arg5[%multiple_of3A_57] : memref<6400xi32, #tpu.memory_space<vmem>> -> memref<64xi32, #tpu.memory_space<vmem>>
    %dma_start3A_64 = arith.constant 0 : i32
    %dma_start3A_65 = arith.constant 0 : i32
    %dma_start3A_66 = tpu.memref_slice %arg3[%dma_start3A_64, %dma_start3A_65] : memref<100000x128xf32, #tpu.memory_space<hbm>> -> memref<100000x128xf32, #tpu.memory_space<hbm>>
    tpu.enqueue_indirect_dma source(%dma_start3A_66 : memref<100000x128xf32, #tpu.memory_space<hbm>>) target(%dma_start3A_62 : memref<64x128xf32, #tpu.memory_space<vmem>>) offsets(%dma_start3A_63 : memref<64xi32, #tpu.memory_space<vmem>>) semaphore(%arg12 : memref<!tpu.dma_semaphore, #tpu.memory_space<semaphore_mem>>)
    %multiple_of3A_67 = arith.constant 384 : i32
    %multiple_of3A_68 = tpu.assume_multiple %multiple_of3A_67, 64 : i32
    %dma_start3A_69 = arith.constant 6 : i32
    %dma_start3A_70 = arith.constant 0 : i32
    %dma_start3A_71 = arith.constant 0 : i32
    %dma_start3A_72 = tpu.memref_slice %arg6[%dma_start3A_69, %dma_start3A_70, %dma_start3A_71] : memref<10x64x128xf32, #tpu.memory_space<vmem>> -> memref<1x64x128xf32, #tpu.memory_space<vmem>>
    %dma_start3A_73 = tpu.memref_squeeze %dma_start3A_72 : memref<1x64x128xf32, #tpu.memory_space<vmem>> -> memref<64x128xf32, #tpu.memory_space<vmem>>
    %dma_start3A_74 = tpu.memref_slice %arg5[%multiple_of3A_68] : memref<6400xi32, #tpu.memory_space<vmem>> -> memref<64xi32, #tpu.memory_space<vmem>>
    %dma_start3A_75 = arith.constant 0 : i32
    %dma_start3A_76 = arith.constant 0 : i32
    %dma_start3A_77 = tpu.memref_slice %arg3[%dma_start3A_75, %dma_start3A_76] : memref<100000x128xf32, #tpu.memory_space<hbm>> -> memref<100000x128xf32, #tpu.memory_space<hbm>>
    tpu.enqueue_indirect_dma source(%dma_start3A_77 : memref<100000x128xf32, #tpu.memory_space<hbm>>) target(%dma_start3A_73 : memref<64x128xf32, #tpu.memory_space<vmem>>) offsets(%dma_start3A_74 : memref<64xi32, #tpu.memory_space<vmem>>) semaphore(%arg13 : memref<!tpu.dma_semaphore, #tpu.memory_space<semaphore_mem>>)
    %multiple_of3A_78 = arith.constant 448 : i32
    %multiple_of3A_79 = tpu.assume_multiple %multiple_of3A_78, 64 : i32
    %dma_start3A_80 = arith.constant 7 : i32
    %dma_start3A_81 = arith.constant 0 : i32
    %dma_start3A_82 = arith.constant 0 : i32
    %dma_start3A_83 = tpu.memref_slice %arg6[%dma_start3A_80, %dma_start3A_81, %dma_start3A_82] : memref<10x64x128xf32, #tpu.memory_space<vmem>> -> memref<1x64x128xf32, #tpu.memory_space<vmem>>
    %dma_start3A_84 = tpu.memref_squeeze %dma_start3A_83 : memref<1x64x128xf32, #tpu.memory_space<vmem>> -> memref<64x128xf32, #tpu.memory_space<vmem>>
    %dma_start3A_85 = tpu.memref_slice %arg5[%multiple_of3A_79] : memref<6400xi32, #tpu.memory_space<vmem>> -> memref<64xi32, #tpu.memory_space<vmem>>
    %dma_start3A_86 = arith.constant 0 : i32
    %dma_start3A_87 = arith.constant 0 : i32
    %dma_start3A_88 = tpu.memref_slice %arg3[%dma_start3A_86, %dma_start3A_87] : memref<100000x128xf32, #tpu.memory_space<hbm>> -> memref<100000x128xf32, #tpu.memory_space<hbm>>
    tpu.enqueue_indirect_dma source(%dma_start3A_88 : memref<100000x128xf32, #tpu.memory_space<hbm>>) target(%dma_start3A_84 : memref<64x128xf32, #tpu.memory_space<vmem>>) offsets(%dma_start3A_85 : memref<64xi32, #tpu.memory_space<vmem>>) semaphore(%arg14 : memref<!tpu.dma_semaphore, #tpu.memory_space<semaphore_mem>>)
    %multiple_of3A_89 = arith.constant 512 : i32
    %multiple_of3A_90 = tpu.assume_multiple %multiple_of3A_89, 64 : i32
    %dma_start3A_91 = arith.constant 8 : i32
    %dma_start3A_92 = arith.constant 0 : i32
    %dma_start3A_93 = arith.constant 0 : i32
    %dma_start3A_94 = tpu.memref_slice %arg6[%dma_start3A_91, %dma_start3A_92, %dma_start3A_93] : memref<10x64x128xf32, #tpu.memory_space<vmem>> -> memref<1x64x128xf32, #tpu.memory_space<vmem>>
    %dma_start3A_95 = tpu.memref_squeeze %dma_start3A_94 : memref<1x64x128xf32, #tpu.memory_space<vmem>> -> memref<64x128xf32, #tpu.memory_space<vmem>>
    %dma_start3A_96 = tpu.memref_slice %arg5[%multiple_of3A_90] : memref<6400xi32, #tpu.memory_space<vmem>> -> memref<64xi32, #tpu.memory_space<vmem>>
    %dma_start3A_97 = arith.constant 0 : i32
    %dma_start3A_98 = arith.constant 0 : i32
    %dma_start3A_99 = tpu.memref_slice %arg3[%dma_start3A_97, %dma_start3A_98] : memref<100000x128xf32, #tpu.memory_space<hbm>> -> memref<100000x128xf32, #tpu.memory_space<hbm>>
    tpu.enqueue_indirect_dma source(%dma_start3A_99 : memref<100000x128xf32, #tpu.memory_space<hbm>>) target(%dma_start3A_95 : memref<64x128xf32, #tpu.memory_space<vmem>>) offsets(%dma_start3A_96 : memref<64xi32, #tpu.memory_space<vmem>>) semaphore(%arg15 : memref<!tpu.dma_semaphore, #tpu.memory_space<semaphore_mem>>)
    %multiple_of3A_100 = arith.constant 576 : i32
    %multiple_of3A_101 = tpu.assume_multiple %multiple_of3A_100, 64 : i32
    %dma_start3A_102 = arith.constant 9 : i32
    %dma_start3A_103 = arith.constant 0 : i32
    %dma_start3A_104 = arith.constant 0 : i32
    %dma_start3A_105 = tpu.memref_slice %arg6[%dma_start3A_102, %dma_start3A_103, %dma_start3A_104] : memref<10x64x128xf32, #tpu.memory_space<vmem>> -> memref<1x64x128xf32, #tpu.memory_space<vmem>>
    %dma_start3A_106 = tpu.memref_squeeze %dma_start3A_105 : memref<1x64x128xf32, #tpu.memory_space<vmem>> -> memref<64x128xf32, #tpu.memory_space<vmem>>
    %dma_start3A_107 = tpu.memref_slice %arg5[%multiple_of3A_101] : memref<6400xi32, #tpu.memory_space<vmem>> -> memref<64xi32, #tpu.memory_space<vmem>>
    %dma_start3A_108 = arith.constant 0 : i32
    %dma_start3A_109 = arith.constant 0 : i32
    %dma_start3A_110 = tpu.memref_slice %arg3[%dma_start3A_108, %dma_start3A_109] : memref<100000x128xf32, #tpu.memory_space<hbm>> -> memref<100000x128xf32, #tpu.memory_space<hbm>>
    tpu.enqueue_indirect_dma source(%dma_start3A_110 : memref<100000x128xf32, #tpu.memory_space<hbm>>) target(%dma_start3A_106 : memref<64x128xf32, #tpu.memory_space<vmem>>) offsets(%dma_start3A_107 : memref<64xi32, #tpu.memory_space<vmem>>) semaphore(%arg16 : memref<!tpu.dma_semaphore, #tpu.memory_space<semaphore_mem>>)
    %scan3A = arith.constant 0 : i32
    %scan3A_111 = arith.constant 0 : i32
    %scan3A_112 = arith.constant 10 : i32
    %scan3A_113 = arith.addi %scan3A_111, %scan3A_112 : i32
    %scan3A_114 = arith.constant 1 : i32
    scf.for %scan3A_116 = %scan3A_111 to %scan3A_113 step %scan3A_114  : i32 {
      %mul3A_117 = arith.constant 10 : i32
      %mul3A_118 = arith.muli %scan3A_116, %mul3A_117 : i32
      %add3A_119 = arith.constant 0 : i32
      %add3A_120 = arith.addi %mul3A_118, %add3A_119 : i32
      %dma_wait3A = arith.constant 0 : i32
      %dma_wait3A_121 = arith.constant 0 : i32
      %dma_wait3A_122 = arith.constant 0 : i32
      %dma_wait3A_123 = tpu.memref_slice %arg6[%dma_wait3A, %dma_wait3A_121, %dma_wait3A_122] : memref<10x64x128xf32, #tpu.memory_space<vmem>> -> memref<1x64x128xf32, #tpu.memory_space<vmem>>
      %dma_wait3A_124 = tpu.memref_squeeze %dma_wait3A_123 : memref<1x64x128xf32, #tpu.memory_space<vmem>> -> memref<64x128xf32, #tpu.memory_space<vmem>>
      %dma_wait3A_125 = arith.constant 0 : i32
      %dma_wait3A_126 = tpu.memref_slice %arg5[%dma_wait3A_125] : memref<6400xi32, #tpu.memory_space<vmem>> -> memref<64xi32, #tpu.memory_space<vmem>>
      %dma_wait3A_127 = arith.constant 0 : i32
      %dma_wait3A_128 = arith.constant 0 : i32
      %dma_wait3A_129 = tpu.memref_slice %arg3[%dma_wait3A_127, %dma_wait3A_128] : memref<100000x128xf32, #tpu.memory_space<hbm>> -> memref<100000x128xf32, #tpu.memory_space<hbm>>
      tpu.wait_indirect_dma semaphore(%arg7 : memref<!tpu.dma_semaphore, #tpu.memory_space<semaphore_mem>>) src(%dma_wait3A_129 : memref<100000x128xf32, #tpu.memory_space<hbm>>) dst(%dma_wait3A_124 : memref<64x128xf32, #tpu.memory_space<vmem>>)
      %mul3A_130 = arith.constant 64 : i32
      %mul3A_131 = arith.muli %add3A_120, %mul3A_130 : i32
      %multiple_of3A_132 = tpu.assume_multiple %mul3A_131, 64 : i32
      %add3A_133 = arith.addi %mul3A_2, %multiple_of3A_132 : i32
      %dma_start3A_134 = arith.constant 0 : i32
      %dma_start3A_135 = arith.constant 0 : i32
      %dma_start3A_136 = arith.constant 0 : i32
      %dma_start3A_137 = tpu.memref_slice %arg6[%dma_start3A_134, %dma_start3A_135, %dma_start3A_136] : memref<10x64x128xf32, #tpu.memory_space<vmem>> -> memref<1x64x128xf32, #tpu.memory_space<vmem>>
      %dma_start3A_138 = tpu.memref_squeeze %dma_start3A_137 : memref<1x64x128xf32, #tpu.memory_space<vmem>> -> memref<64x128xf32, #tpu.memory_space<vmem>>
      %dma_start3A_139 = arith.constant 0 : i32
      %dma_start3A_140 = tpu.memref_slice %arg4[%add3A_133, %dma_start3A_139] : memref<204800x128xf32, #tpu.memory_space<hbm>> -> memref<64x128xf32, #tpu.memory_space<hbm>>
      %dma_start3A_141 = arith.constant 0 : i32
      %dma_start3A_142 = tpu.memref_slice %arg4[%add3A_133, %dma_start3A_141] : memref<204800x128xf32, #tpu.memory_space<hbm>> -> memref<64x128xf32, #tpu.memory_space<hbm>>
      %dma_start3A_143 = arith.constant 0 : i32
      %dma_start3A_144 = arith.constant 0 : i32
      %dma_start3A_145 = tpu.memref_slice %arg6[%dma_start3A_134, %dma_start3A_143, %dma_start3A_144] : memref<10x64x128xf32, #tpu.memory_space<vmem>> -> memref<1x64x128xf32, #tpu.memory_space<vmem>>
      %dma_start3A_146 = tpu.memref_squeeze %dma_start3A_145 : memref<1x64x128xf32, #tpu.memory_space<vmem>> -> memref<64x128xf32, #tpu.memory_space<vmem>>
      tpu.enqueue_dma source(%dma_start3A_146 : memref<64x128xf32, #tpu.memory_space<vmem>>) target(%dma_start3A_142 : memref<64x128xf32, #tpu.memory_space<hbm>>) target_semaphore(%arg17 : memref<!tpu.dma_semaphore, #tpu.memory_space<semaphore_mem>>)
      %mul3A_147 = arith.constant 10 : i32
      %mul3A_148 = arith.muli %scan3A_116, %mul3A_147 : i32
      %add3A_149 = arith.constant 1 : i32
      %add3A_150 = arith.addi %mul3A_148, %add3A_149 : i32
      %dma_wait3A_151 = arith.constant 1 : i32
      %dma_wait3A_152 = arith.constant 0 : i32
      %dma_wait3A_153 = arith.constant 0 : i32
      %dma_wait3A_154 = tpu.memref_slice %arg6[%dma_wait3A_151, %dma_wait3A_152, %dma_wait3A_153] : memref<10x64x128xf32, #tpu.memory_space<vmem>> -> memref<1x64x128xf32, #tpu.memory_space<vmem>>
      %dma_wait3A_155 = tpu.memref_squeeze %dma_wait3A_154 : memref<1x64x128xf32, #tpu.memory_space<vmem>> -> memref<64x128xf32, #tpu.memory_space<vmem>>
      %dma_wait3A_156 = arith.constant 0 : i32
      %dma_wait3A_157 = tpu.memref_slice %arg5[%dma_wait3A_156] : memref<6400xi32, #tpu.memory_space<vmem>> -> memref<64xi32, #tpu.memory_space<vmem>>
      %dma_wait3A_158 = arith.constant 0 : i32
      %dma_wait3A_159 = arith.constant 0 : i32
      %dma_wait3A_160 = tpu.memref_slice %arg3[%dma_wait3A_158, %dma_wait3A_159] : memref<100000x128xf32, #tpu.memory_space<hbm>> -> memref<100000x128xf32, #tpu.memory_space<hbm>>
      tpu.wait_indirect_dma semaphore(%arg8 : memref<!tpu.dma_semaphore, #tpu.memory_space<semaphore_mem>>) src(%dma_wait3A_160 : memref<100000x128xf32, #tpu.memory_space<hbm>>) dst(%dma_wait3A_155 : memref<64x128xf32, #tpu.memory_space<vmem>>)
      %mul3A_161 = arith.constant 64 : i32
      %mul3A_162 = arith.muli %add3A_150, %mul3A_161 : i32
      %multiple_of3A_163 = tpu.assume_multiple %mul3A_162, 64 : i32
      %add3A_164 = arith.addi %mul3A_2, %multiple_of3A_163 : i32
      %dma_start3A_165 = arith.constant 1 : i32
      %dma_start3A_166 = arith.constant 0 : i32
      %dma_start3A_167 = arith.constant 0 : i32
      %dma_start3A_168 = tpu.memref_slice %arg6[%dma_start3A_165, %dma_start3A_166, %dma_start3A_167] : memref<10x64x128xf32, #tpu.memory_space<vmem>> -> memref<1x64x128xf32, #tpu.memory_space<vmem>>
      %dma_start3A_169 = tpu.memref_squeeze %dma_start3A_168 : memref<1x64x128xf32, #tpu.memory_space<vmem>> -> memref<64x128xf32, #tpu.memory_space<vmem>>
      %dma_start3A_170 = arith.constant 0 : i32
      %dma_start3A_171 = tpu.memref_slice %arg4[%add3A_164, %dma_start3A_170] : memref<204800x128xf32, #tpu.memory_space<hbm>> -> memref<64x128xf32, #tpu.memory_space<hbm>>
      %dma_start3A_172 = arith.constant 0 : i32
      %dma_start3A_173 = tpu.memref_slice %arg4[%add3A_164, %dma_start3A_172] : memref<204800x128xf32, #tpu.memory_space<hbm>> -> memref<64x128xf32, #tpu.memory_space<hbm>>
      %dma_start3A_174 = arith.constant 0 : i32
      %dma_start3A_175 = arith.constant 0 : i32
      %dma_start3A_176 = tpu.memref_slice %arg6[%dma_start3A_165, %dma_start3A_174, %dma_start3A_175] : memref<10x64x128xf32, #tpu.memory_space<vmem>> -> memref<1x64x128xf32, #tpu.memory_space<vmem>>
      %dma_start3A_177 = tpu.memref_squeeze %dma_start3A_176 : memref<1x64x128xf32, #tpu.memory_space<vmem>> -> memref<64x128xf32, #tpu.memory_space<vmem>>
      tpu.enqueue_dma source(%dma_start3A_177 : memref<64x128xf32, #tpu.memory_space<vmem>>) target(%dma_start3A_173 : memref<64x128xf32, #tpu.memory_space<hbm>>) target_semaphore(%arg18 : memref<!tpu.dma_semaphore, #tpu.memory_space<semaphore_mem>>)
      %mul3A_178 = arith.constant 10 : i32
      %mul3A_179 = arith.muli %scan3A_116, %mul3A_178 : i32
      %add3A_180 = arith.constant 2 : i32
      %add3A_181 = arith.addi %mul3A_179, %add3A_180 : i32
      %dma_wait3A_182 = arith.constant 2 : i32
      %dma_wait3A_183 = arith.constant 0 : i32
      %dma_wait3A_184 = arith.constant 0 : i32
      %dma_wait3A_185 = tpu.memref_slice %arg6[%dma_wait3A_182, %dma_wait3A_183, %dma_wait3A_184] : memref<10x64x128xf32, #tpu.memory_space<vmem>> -> memref<1x64x128xf32, #tpu.memory_space<vmem>>
      %dma_wait3A_186 = tpu.memref_squeeze %dma_wait3A_185 : memref<1x64x128xf32, #tpu.memory_space<vmem>> -> memref<64x128xf32, #tpu.memory_space<vmem>>
      %dma_wait3A_187 = arith.constant 0 : i32
      %dma_wait3A_188 = tpu.memref_slice %arg5[%dma_wait3A_187] : memref<6400xi32, #tpu.memory_space<vmem>> -> memref<64xi32, #tpu.memory_space<vmem>>
      %dma_wait3A_189 = arith.constant 0 : i32
      %dma_wait3A_190 = arith.constant 0 : i32
      %dma_wait3A_191 = tpu.memref_slice %arg3[%dma_wait3A_189, %dma_wait3A_190] : memref<100000x128xf32, #tpu.memory_space<hbm>> -> memref<100000x128xf32, #tpu.memory_space<hbm>>
      tpu.wait_indirect_dma semaphore(%arg9 : memref<!tpu.dma_semaphore, #tpu.memory_space<semaphore_mem>>) src(%dma_wait3A_191 : memref<100000x128xf32, #tpu.memory_space<hbm>>) dst(%dma_wait3A_186 : memref<64x128xf32, #tpu.memory_space<vmem>>)
      %mul3A_192 = arith.constant 64 : i32
      %mul3A_193 = arith.muli %add3A_181, %mul3A_192 : i32
      %multiple_of3A_194 = tpu.assume_multiple %mul3A_193, 64 : i32
      %add3A_195 = arith.addi %mul3A_2, %multiple_of3A_194 : i32
      %dma_start3A_196 = arith.constant 2 : i32
      %dma_start3A_197 = arith.constant 0 : i32
      %dma_start3A_198 = arith.constant 0 : i32
      %dma_start3A_199 = tpu.memref_slice %arg6[%dma_start3A_196, %dma_start3A_197, %dma_start3A_198] : memref<10x64x128xf32, #tpu.memory_space<vmem>> -> memref<1x64x128xf32, #tpu.memory_space<vmem>>
      %dma_start3A_200 = tpu.memref_squeeze %dma_start3A_199 : memref<1x64x128xf32, #tpu.memory_space<vmem>> -> memref<64x128xf32, #tpu.memory_space<vmem>>
      %dma_start3A_201 = arith.constant 0 : i32
      %dma_start3A_202 = tpu.memref_slice %arg4[%add3A_195, %dma_start3A_201] : memref<204800x128xf32, #tpu.memory_space<hbm>> -> memref<64x128xf32, #tpu.memory_space<hbm>>
      %dma_start3A_203 = arith.constant 0 : i32
      %dma_start3A_204 = tpu.memref_slice %arg4[%add3A_195, %dma_start3A_203] : memref<204800x128xf32, #tpu.memory_space<hbm>> -> memref<64x128xf32, #tpu.memory_space<hbm>>
      %dma_start3A_205 = arith.constant 0 : i32
      %dma_start3A_206 = arith.constant 0 : i32
      %dma_start3A_207 = tpu.memref_slice %arg6[%dma_start3A_196, %dma_start3A_205, %dma_start3A_206] : memref<10x64x128xf32, #tpu.memory_space<vmem>> -> memref<1x64x128xf32, #tpu.memory_space<vmem>>
      %dma_start3A_208 = tpu.memref_squeeze %dma_start3A_207 : memref<1x64x128xf32, #tpu.memory_space<vmem>> -> memref<64x128xf32, #tpu.memory_space<vmem>>
      tpu.enqueue_dma source(%dma_start3A_208 : memref<64x128xf32, #tpu.memory_space<vmem>>) target(%dma_start3A_204 : memref<64x128xf32, #tpu.memory_space<hbm>>) target_semaphore(%arg19 : memref<!tpu.dma_semaphore, #tpu.memory_space<semaphore_mem>>)
      %mul3A_209 = arith.constant 10 : i32
      %mul3A_210 = arith.muli %scan3A_116, %mul3A_209 : i32
      %add3A_211 = arith.constant 3 : i32
      %add3A_212 = arith.addi %mul3A_210, %add3A_211 : i32
      %dma_wait3A_213 = arith.constant 3 : i32
      %dma_wait3A_214 = arith.constant 0 : i32
      %dma_wait3A_215 = arith.constant 0 : i32
      %dma_wait3A_216 = tpu.memref_slice %arg6[%dma_wait3A_213, %dma_wait3A_214, %dma_wait3A_215] : memref<10x64x128xf32, #tpu.memory_space<vmem>> -> memref<1x64x128xf32, #tpu.memory_space<vmem>>
      %dma_wait3A_217 = tpu.memref_squeeze %dma_wait3A_216 : memref<1x64x128xf32, #tpu.memory_space<vmem>> -> memref<64x128xf32, #tpu.memory_space<vmem>>
      %dma_wait3A_218 = arith.constant 0 : i32
      %dma_wait3A_219 = tpu.memref_slice %arg5[%dma_wait3A_218] : memref<6400xi32, #tpu.memory_space<vmem>> -> memref<64xi32, #tpu.memory_space<vmem>>
      %dma_wait3A_220 = arith.constant 0 : i32
      %dma_wait3A_221 = arith.constant 0 : i32
      %dma_wait3A_222 = tpu.memref_slice %arg3[%dma_wait3A_220, %dma_wait3A_221] : memref<100000x128xf32, #tpu.memory_space<hbm>> -> memref<100000x128xf32, #tpu.memory_space<hbm>>
      tpu.wait_indirect_dma semaphore(%arg10 : memref<!tpu.dma_semaphore, #tpu.memory_space<semaphore_mem>>) src(%dma_wait3A_222 : memref<100000x128xf32, #tpu.memory_space<hbm>>) dst(%dma_wait3A_217 : memref<64x128xf32, #tpu.memory_space<vmem>>)
      %mul3A_223 = arith.constant 64 : i32
      %mul3A_224 = arith.muli %add3A_212, %mul3A_223 : i32
      %multiple_of3A_225 = tpu.assume_multiple %mul3A_224, 64 : i32
      %add3A_226 = arith.addi %mul3A_2, %multiple_of3A_225 : i32
      %dma_start3A_227 = arith.constant 3 : i32
      %dma_start3A_228 = arith.constant 0 : i32
      %dma_start3A_229 = arith.constant 0 : i32
      %dma_start3A_230 = tpu.memref_slice %arg6[%dma_start3A_227, %dma_start3A_228, %dma_start3A_229] : memref<10x64x128xf32, #tpu.memory_space<vmem>> -> memref<1x64x128xf32, #tpu.memory_space<vmem>>
      %dma_start3A_231 = tpu.memref_squeeze %dma_start3A_230 : memref<1x64x128xf32, #tpu.memory_space<vmem>> -> memref<64x128xf32, #tpu.memory_space<vmem>>
      %dma_start3A_232 = arith.constant 0 : i32
      %dma_start3A_233 = tpu.memref_slice %arg4[%add3A_226, %dma_start3A_232] : memref<204800x128xf32, #tpu.memory_space<hbm>> -> memref<64x128xf32, #tpu.memory_space<hbm>>
      %dma_start3A_234 = arith.constant 0 : i32
      %dma_start3A_235 = tpu.memref_slice %arg4[%add3A_226, %dma_start3A_234] : memref<204800x128xf32, #tpu.memory_space<hbm>> -> memref<64x128xf32, #tpu.memory_space<hbm>>
      %dma_start3A_236 = arith.constant 0 : i32
      %dma_start3A_237 = arith.constant 0 : i32
      %dma_start3A_238 = tpu.memref_slice %arg6[%dma_start3A_227, %dma_start3A_236, %dma_start3A_237] : memref<10x64x128xf32, #tpu.memory_space<vmem>> -> memref<1x64x128xf32, #tpu.memory_space<vmem>>
      %dma_start3A_239 = tpu.memref_squeeze %dma_start3A_238 : memref<1x64x128xf32, #tpu.memory_space<vmem>> -> memref<64x128xf32, #tpu.memory_space<vmem>>
      tpu.enqueue_dma source(%dma_start3A_239 : memref<64x128xf32, #tpu.memory_space<vmem>>) target(%dma_start3A_235 : memref<64x128xf32, #tpu.memory_space<hbm>>) target_semaphore(%arg20 : memref<!tpu.dma_semaphore, #tpu.memory_space<semaphore_mem>>)
      %mul3A_240 = arith.constant 10 : i32
      %mul3A_241 = arith.muli %scan3A_116, %mul3A_240 : i32
      %add3A_242 = arith.constant 4 : i32
      %add3A_243 = arith.addi %mul3A_241, %add3A_242 : i32
      %dma_wait3A_244 = arith.constant 4 : i32
      %dma_wait3A_245 = arith.constant 0 : i32
      %dma_wait3A_246 = arith.constant 0 : i32
      %dma_wait3A_247 = tpu.memref_slice %arg6[%dma_wait3A_244, %dma_wait3A_245, %dma_wait3A_246] : memref<10x64x128xf32, #tpu.memory_space<vmem>> -> memref<1x64x128xf32, #tpu.memory_space<vmem>>
      %dma_wait3A_248 = tpu.memref_squeeze %dma_wait3A_247 : memref<1x64x128xf32, #tpu.memory_space<vmem>> -> memref<64x128xf32, #tpu.memory_space<vmem>>
      %dma_wait3A_249 = arith.constant 0 : i32
      %dma_wait3A_250 = tpu.memref_slice %arg5[%dma_wait3A_249] : memref<6400xi32, #tpu.memory_space<vmem>> -> memref<64xi32, #tpu.memory_space<vmem>>
      %dma_wait3A_251 = arith.constant 0 : i32
      %dma_wait3A_252 = arith.constant 0 : i32
      %dma_wait3A_253 = tpu.memref_slice %arg3[%dma_wait3A_251, %dma_wait3A_252] : memref<100000x128xf32, #tpu.memory_space<hbm>> -> memref<100000x128xf32, #tpu.memory_space<hbm>>
      tpu.wait_indirect_dma semaphore(%arg11 : memref<!tpu.dma_semaphore, #tpu.memory_space<semaphore_mem>>) src(%dma_wait3A_253 : memref<100000x128xf32, #tpu.memory_space<hbm>>) dst(%dma_wait3A_248 : memref<64x128xf32, #tpu.memory_space<vmem>>)
      %mul3A_254 = arith.constant 64 : i32
      %mul3A_255 = arith.muli %add3A_243, %mul3A_254 : i32
      %multiple_of3A_256 = tpu.assume_multiple %mul3A_255, 64 : i32
      %add3A_257 = arith.addi %mul3A_2, %multiple_of3A_256 : i32
      %dma_start3A_258 = arith.constant 4 : i32
      %dma_start3A_259 = arith.constant 0 : i32
      %dma_start3A_260 = arith.constant 0 : i32
      %dma_start3A_261 = tpu.memref_slice %arg6[%dma_start3A_258, %dma_start3A_259, %dma_start3A_260] : memref<10x64x128xf32, #tpu.memory_space<vmem>> -> memref<1x64x128xf32, #tpu.memory_space<vmem>>
      %dma_start3A_262 = tpu.memref_squeeze %dma_start3A_261 : memref<1x64x128xf32, #tpu.memory_space<vmem>> -> memref<64x128xf32, #tpu.memory_space<vmem>>
      %dma_start3A_263 = arith.constant 0 : i32
      %dma_start3A_264 = tpu.memref_slice %arg4[%add3A_257, %dma_start3A_263] : memref<204800x128xf32, #tpu.memory_space<hbm>> -> memref<64x128xf32, #tpu.memory_space<hbm>>
      %dma_start3A_265 = arith.constant 0 : i32
      %dma_start3A_266 = tpu.memref_slice %arg4[%add3A_257, %dma_start3A_265] : memref<204800x128xf32, #tpu.memory_space<hbm>> -> memref<64x128xf32, #tpu.memory_space<hbm>>
      %dma_start3A_267 = arith.constant 0 : i32
      %dma_start3A_268 = arith.constant 0 : i32
      %dma_start3A_269 = tpu.memref_slice %arg6[%dma_start3A_258, %dma_start3A_267, %dma_start3A_268] : memref<10x64x128xf32, #tpu.memory_space<vmem>> -> memref<1x64x128xf32, #tpu.memory_space<vmem>>
      %dma_start3A_270 = tpu.memref_squeeze %dma_start3A_269 : memref<1x64x128xf32, #tpu.memory_space<vmem>> -> memref<64x128xf32, #tpu.memory_space<vmem>>
      tpu.enqueue_dma source(%dma_start3A_270 : memref<64x128xf32, #tpu.memory_space<vmem>>) target(%dma_start3A_266 : memref<64x128xf32, #tpu.memory_space<hbm>>) target_semaphore(%arg21 : memref<!tpu.dma_semaphore, #tpu.memory_space<semaphore_mem>>)
      %mul3A_271 = arith.constant 10 : i32
      %mul3A_272 = arith.muli %scan3A_116, %mul3A_271 : i32
      %add3A_273 = arith.constant 5 : i32
      %add3A_274 = arith.addi %mul3A_272, %add3A_273 : i32
      %dma_wait3A_275 = arith.constant 5 : i32
      %dma_wait3A_276 = arith.constant 0 : i32
      %dma_wait3A_277 = arith.constant 0 : i32
      %dma_wait3A_278 = tpu.memref_slice %arg6[%dma_wait3A_275, %dma_wait3A_276, %dma_wait3A_277] : memref<10x64x128xf32, #tpu.memory_space<vmem>> -> memref<1x64x128xf32, #tpu.memory_space<vmem>>
      %dma_wait3A_279 = tpu.memref_squeeze %dma_wait3A_278 : memref<1x64x128xf32, #tpu.memory_space<vmem>> -> memref<64x128xf32, #tpu.memory_space<vmem>>
      %dma_wait3A_280 = arith.constant 0 : i32
      %dma_wait3A_281 = tpu.memref_slice %arg5[%dma_wait3A_280] : memref<6400xi32, #tpu.memory_space<vmem>> -> memref<64xi32, #tpu.memory_space<vmem>>
      %dma_wait3A_282 = arith.constant 0 : i32
      %dma_wait3A_283 = arith.constant 0 : i32
      %dma_wait3A_284 = tpu.memref_slice %arg3[%dma_wait3A_282, %dma_wait3A_283] : memref<100000x128xf32, #tpu.memory_space<hbm>> -> memref<100000x128xf32, #tpu.memory_space<hbm>>
      tpu.wait_indirect_dma semaphore(%arg12 : memref<!tpu.dma_semaphore, #tpu.memory_space<semaphore_mem>>) src(%dma_wait3A_284 : memref<100000x128xf32, #tpu.memory_space<hbm>>) dst(%dma_wait3A_279 : memref<64x128xf32, #tpu.memory_space<vmem>>)
      %mul3A_285 = arith.constant 64 : i32
      %mul3A_286 = arith.muli %add3A_274, %mul3A_285 : i32
      %multiple_of3A_287 = tpu.assume_multiple %mul3A_286, 64 : i32
      %add3A_288 = arith.addi %mul3A_2, %multiple_of3A_287 : i32
      %dma_start3A_289 = arith.constant 5 : i32
      %dma_start3A_290 = arith.constant 0 : i32
      %dma_start3A_291 = arith.constant 0 : i32
      %dma_start3A_292 = tpu.memref_slice %arg6[%dma_start3A_289, %dma_start3A_290, %dma_start3A_291] : memref<10x64x128xf32, #tpu.memory_space<vmem>> -> memref<1x64x128xf32, #tpu.memory_space<vmem>>
      %dma_start3A_293 = tpu.memref_squeeze %dma_start3A_292 : memref<1x64x128xf32, #tpu.memory_space<vmem>> -> memref<64x128xf32, #tpu.memory_space<vmem>>
      %dma_start3A_294 = arith.constant 0 : i32
      %dma_start3A_295 = tpu.memref_slice %arg4[%add3A_288, %dma_start3A_294] : memref<204800x128xf32, #tpu.memory_space<hbm>> -> memref<64x128xf32, #tpu.memory_space<hbm>>
      %dma_start3A_296 = arith.constant 0 : i32
      %dma_start3A_297 = tpu.memref_slice %arg4[%add3A_288, %dma_start3A_296] : memref<204800x128xf32, #tpu.memory_space<hbm>> -> memref<64x128xf32, #tpu.memory_space<hbm>>
      %dma_start3A_298 = arith.constant 0 : i32
      %dma_start3A_299 = arith.constant 0 : i32
      %dma_start3A_300 = tpu.memref_slice %arg6[%dma_start3A_289, %dma_start3A_298, %dma_start3A_299] : memref<10x64x128xf32, #tpu.memory_space<vmem>> -> memref<1x64x128xf32, #tpu.memory_space<vmem>>
      %dma_start3A_301 = tpu.memref_squeeze %dma_start3A_300 : memref<1x64x128xf32, #tpu.memory_space<vmem>> -> memref<64x128xf32, #tpu.memory_space<vmem>>
      tpu.enqueue_dma source(%dma_start3A_301 : memref<64x128xf32, #tpu.memory_space<vmem>>) target(%dma_start3A_297 : memref<64x128xf32, #tpu.memory_space<hbm>>) target_semaphore(%arg22 : memref<!tpu.dma_semaphore, #tpu.memory_space<semaphore_mem>>)
      %mul3A_302 = arith.constant 10 : i32
      %mul3A_303 = arith.muli %scan3A_116, %mul3A_302 : i32
      %add3A_304 = arith.constant 6 : i32
      %add3A_305 = arith.addi %mul3A_303, %add3A_304 : i32
      %dma_wait3A_306 = arith.constant 6 : i32
      %dma_wait3A_307 = arith.constant 0 : i32
      %dma_wait3A_308 = arith.constant 0 : i32
      %dma_wait3A_309 = tpu.memref_slice %arg6[%dma_wait3A_306, %dma_wait3A_307, %dma_wait3A_308] : memref<10x64x128xf32, #tpu.memory_space<vmem>> -> memref<1x64x128xf32, #tpu.memory_space<vmem>>
      %dma_wait3A_310 = tpu.memref_squeeze %dma_wait3A_309 : memref<1x64x128xf32, #tpu.memory_space<vmem>> -> memref<64x128xf32, #tpu.memory_space<vmem>>
      %dma_wait3A_311 = arith.constant 0 : i32
      %dma_wait3A_312 = tpu.memref_slice %arg5[%dma_wait3A_311] : memref<6400xi32, #tpu.memory_space<vmem>> -> memref<64xi32, #tpu.memory_space<vmem>>
      %dma_wait3A_313 = arith.constant 0 : i32
      %dma_wait3A_314 = arith.constant 0 : i32
      %dma_wait3A_315 = tpu.memref_slice %arg3[%dma_wait3A_313, %dma_wait3A_314] : memref<100000x128xf32, #tpu.memory_space<hbm>> -> memref<100000x128xf32, #tpu.memory_space<hbm>>
      tpu.wait_indirect_dma semaphore(%arg13 : memref<!tpu.dma_semaphore, #tpu.memory_space<semaphore_mem>>) src(%dma_wait3A_315 : memref<100000x128xf32, #tpu.memory_space<hbm>>) dst(%dma_wait3A_310 : memref<64x128xf32, #tpu.memory_space<vmem>>)
      %mul3A_316 = arith.constant 64 : i32
      %mul3A_317 = arith.muli %add3A_305, %mul3A_316 : i32
      %multiple_of3A_318 = tpu.assume_multiple %mul3A_317, 64 : i32
      %add3A_319 = arith.addi %mul3A_2, %multiple_of3A_318 : i32
      %dma_start3A_320 = arith.constant 6 : i32
      %dma_start3A_321 = arith.constant 0 : i32
      %dma_start3A_322 = arith.constant 0 : i32
      %dma_start3A_323 = tpu.memref_slice %arg6[%dma_start3A_320, %dma_start3A_321, %dma_start3A_322] : memref<10x64x128xf32, #tpu.memory_space<vmem>> -> memref<1x64x128xf32, #tpu.memory_space<vmem>>
      %dma_start3A_324 = tpu.memref_squeeze %dma_start3A_323 : memref<1x64x128xf32, #tpu.memory_space<vmem>> -> memref<64x128xf32, #tpu.memory_space<vmem>>
      %dma_start3A_325 = arith.constant 0 : i32
      %dma_start3A_326 = tpu.memref_slice %arg4[%add3A_319, %dma_start3A_325] : memref<204800x128xf32, #tpu.memory_space<hbm>> -> memref<64x128xf32, #tpu.memory_space<hbm>>
      %dma_start3A_327 = arith.constant 0 : i32
      %dma_start3A_328 = tpu.memref_slice %arg4[%add3A_319, %dma_start3A_327] : memref<204800x128xf32, #tpu.memory_space<hbm>> -> memref<64x128xf32, #tpu.memory_space<hbm>>
      %dma_start3A_329 = arith.constant 0 : i32
      %dma_start3A_330 = arith.constant 0 : i32
      %dma_start3A_331 = tpu.memref_slice %arg6[%dma_start3A_320, %dma_start3A_329, %dma_start3A_330] : memref<10x64x128xf32, #tpu.memory_space<vmem>> -> memref<1x64x128xf32, #tpu.memory_space<vmem>>
      %dma_start3A_332 = tpu.memref_squeeze %dma_start3A_331 : memref<1x64x128xf32, #tpu.memory_space<vmem>> -> memref<64x128xf32, #tpu.memory_space<vmem>>
      tpu.enqueue_dma source(%dma_start3A_332 : memref<64x128xf32, #tpu.memory_space<vmem>>) target(%dma_start3A_328 : memref<64x128xf32, #tpu.memory_space<hbm>>) target_semaphore(%arg23 : memref<!tpu.dma_semaphore, #tpu.memory_space<semaphore_mem>>)
      %mul3A_333 = arith.constant 10 : i32
      %mul3A_334 = arith.muli %scan3A_116, %mul3A_333 : i32
      %add3A_335 = arith.constant 7 : i32
      %add3A_336 = arith.addi %mul3A_334, %add3A_335 : i32
      %dma_wait3A_337 = arith.constant 7 : i32
      %dma_wait3A_338 = arith.constant 0 : i32
      %dma_wait3A_339 = arith.constant 0 : i32
      %dma_wait3A_340 = tpu.memref_slice %arg6[%dma_wait3A_337, %dma_wait3A_338, %dma_wait3A_339] : memref<10x64x128xf32, #tpu.memory_space<vmem>> -> memref<1x64x128xf32, #tpu.memory_space<vmem>>
      %dma_wait3A_341 = tpu.memref_squeeze %dma_wait3A_340 : memref<1x64x128xf32, #tpu.memory_space<vmem>> -> memref<64x128xf32, #tpu.memory_space<vmem>>
      %dma_wait3A_342 = arith.constant 0 : i32
      %dma_wait3A_343 = tpu.memref_slice %arg5[%dma_wait3A_342] : memref<6400xi32, #tpu.memory_space<vmem>> -> memref<64xi32, #tpu.memory_space<vmem>>
      %dma_wait3A_344 = arith.constant 0 : i32
      %dma_wait3A_345 = arith.constant 0 : i32
      %dma_wait3A_346 = tpu.memref_slice %arg3[%dma_wait3A_344, %dma_wait3A_345] : memref<100000x128xf32, #tpu.memory_space<hbm>> -> memref<100000x128xf32, #tpu.memory_space<hbm>>
      tpu.wait_indirect_dma semaphore(%arg14 : memref<!tpu.dma_semaphore, #tpu.memory_space<semaphore_mem>>) src(%dma_wait3A_346 : memref<100000x128xf32, #tpu.memory_space<hbm>>) dst(%dma_wait3A_341 : memref<64x128xf32, #tpu.memory_space<vmem>>)
      %mul3A_347 = arith.constant 64 : i32
      %mul3A_348 = arith.muli %add3A_336, %mul3A_347 : i32
      %multiple_of3A_349 = tpu.assume_multiple %mul3A_348, 64 : i32
      %add3A_350 = arith.addi %mul3A_2, %multiple_of3A_349 : i32
      %dma_start3A_351 = arith.constant 7 : i32
      %dma_start3A_352 = arith.constant 0 : i32
      %dma_start3A_353 = arith.constant 0 : i32
      %dma_start3A_354 = tpu.memref_slice %arg6[%dma_start3A_351, %dma_start3A_352, %dma_start3A_353] : memref<10x64x128xf32, #tpu.memory_space<vmem>> -> memref<1x64x128xf32, #tpu.memory_space<vmem>>
      %dma_start3A_355 = tpu.memref_squeeze %dma_start3A_354 : memref<1x64x128xf32, #tpu.memory_space<vmem>> -> memref<64x128xf32, #tpu.memory_space<vmem>>
      %dma_start3A_356 = arith.constant 0 : i32
      %dma_start3A_357 = tpu.memref_slice %arg4[%add3A_350, %dma_start3A_356] : memref<204800x128xf32, #tpu.memory_space<hbm>> -> memref<64x128xf32, #tpu.memory_space<hbm>>
      %dma_start3A_358 = arith.constant 0 : i32
      %dma_start3A_359 = tpu.memref_slice %arg4[%add3A_350, %dma_start3A_358] : memref<204800x128xf32, #tpu.memory_space<hbm>> -> memref<64x128xf32, #tpu.memory_space<hbm>>
      %dma_start3A_360 = arith.constant 0 : i32
      %dma_start3A_361 = arith.constant 0 : i32
      %dma_start3A_362 = tpu.memref_slice %arg6[%dma_start3A_351, %dma_start3A_360, %dma_start3A_361] : memref<10x64x128xf32, #tpu.memory_space<vmem>> -> memref<1x64x128xf32, #tpu.memory_space<vmem>>
      %dma_start3A_363 = tpu.memref_squeeze %dma_start3A_362 : memref<1x64x128xf32, #tpu.memory_space<vmem>> -> memref<64x128xf32, #tpu.memory_space<vmem>>
      tpu.enqueue_dma source(%dma_start3A_363 : memref<64x128xf32, #tpu.memory_space<vmem>>) target(%dma_start3A_359 : memref<64x128xf32, #tpu.memory_space<hbm>>) target_semaphore(%arg24 : memref<!tpu.dma_semaphore, #tpu.memory_space<semaphore_mem>>)
      %mul3A_364 = arith.constant 10 : i32
      %mul3A_365 = arith.muli %scan3A_116, %mul3A_364 : i32
      %add3A_366 = arith.constant 8 : i32
      %add3A_367 = arith.addi %mul3A_365, %add3A_366 : i32
      %dma_wait3A_368 = arith.constant 8 : i32
      %dma_wait3A_369 = arith.constant 0 : i32
      %dma_wait3A_370 = arith.constant 0 : i32
      %dma_wait3A_371 = tpu.memref_slice %arg6[%dma_wait3A_368, %dma_wait3A_369, %dma_wait3A_370] : memref<10x64x128xf32, #tpu.memory_space<vmem>> -> memref<1x64x128xf32, #tpu.memory_space<vmem>>
      %dma_wait3A_372 = tpu.memref_squeeze %dma_wait3A_371 : memref<1x64x128xf32, #tpu.memory_space<vmem>> -> memref<64x128xf32, #tpu.memory_space<vmem>>
      %dma_wait3A_373 = arith.constant 0 : i32
      %dma_wait3A_374 = tpu.memref_slice %arg5[%dma_wait3A_373] : memref<6400xi32, #tpu.memory_space<vmem>> -> memref<64xi32, #tpu.memory_space<vmem>>
      %dma_wait3A_375 = arith.constant 0 : i32
      %dma_wait3A_376 = arith.constant 0 : i32
      %dma_wait3A_377 = tpu.memref_slice %arg3[%dma_wait3A_375, %dma_wait3A_376] : memref<100000x128xf32, #tpu.memory_space<hbm>> -> memref<100000x128xf32, #tpu.memory_space<hbm>>
      tpu.wait_indirect_dma semaphore(%arg15 : memref<!tpu.dma_semaphore, #tpu.memory_space<semaphore_mem>>) src(%dma_wait3A_377 : memref<100000x128xf32, #tpu.memory_space<hbm>>) dst(%dma_wait3A_372 : memref<64x128xf32, #tpu.memory_space<vmem>>)
      %mul3A_378 = arith.constant 64 : i32
      %mul3A_379 = arith.muli %add3A_367, %mul3A_378 : i32
      %multiple_of3A_380 = tpu.assume_multiple %mul3A_379, 64 : i32
      %add3A_381 = arith.addi %mul3A_2, %multiple_of3A_380 : i32
      %dma_start3A_382 = arith.constant 8 : i32
      %dma_start3A_383 = arith.constant 0 : i32
      %dma_start3A_384 = arith.constant 0 : i32
      %dma_start3A_385 = tpu.memref_slice %arg6[%dma_start3A_382, %dma_start3A_383, %dma_start3A_384] : memref<10x64x128xf32, #tpu.memory_space<vmem>> -> memref<1x64x128xf32, #tpu.memory_space<vmem>>
      %dma_start3A_386 = tpu.memref_squeeze %dma_start3A_385 : memref<1x64x128xf32, #tpu.memory_space<vmem>> -> memref<64x128xf32, #tpu.memory_space<vmem>>
      %dma_start3A_387 = arith.constant 0 : i32
      %dma_start3A_388 = tpu.memref_slice %arg4[%add3A_381, %dma_start3A_387] : memref<204800x128xf32, #tpu.memory_space<hbm>> -> memref<64x128xf32, #tpu.memory_space<hbm>>
      %dma_start3A_389 = arith.constant 0 : i32
      %dma_start3A_390 = tpu.memref_slice %arg4[%add3A_381, %dma_start3A_389] : memref<204800x128xf32, #tpu.memory_space<hbm>> -> memref<64x128xf32, #tpu.memory_space<hbm>>
      %dma_start3A_391 = arith.constant 0 : i32
      %dma_start3A_392 = arith.constant 0 : i32
      %dma_start3A_393 = tpu.memref_slice %arg6[%dma_start3A_382, %dma_start3A_391, %dma_start3A_392] : memref<10x64x128xf32, #tpu.memory_space<vmem>> -> memref<1x64x128xf32, #tpu.memory_space<vmem>>
      %dma_start3A_394 = tpu.memref_squeeze %dma_start3A_393 : memref<1x64x128xf32, #tpu.memory_space<vmem>> -> memref<64x128xf32, #tpu.memory_space<vmem>>
      tpu.enqueue_dma source(%dma_start3A_394 : memref<64x128xf32, #tpu.memory_space<vmem>>) target(%dma_start3A_390 : memref<64x128xf32, #tpu.memory_space<hbm>>) target_semaphore(%arg25 : memref<!tpu.dma_semaphore, #tpu.memory_space<semaphore_mem>>)
      %mul3A_395 = arith.constant 10 : i32
      %mul3A_396 = arith.muli %scan3A_116, %mul3A_395 : i32
      %add3A_397 = arith.constant 9 : i32
      %add3A_398 = arith.addi %mul3A_396, %add3A_397 : i32
      %dma_wait3A_399 = arith.constant 9 : i32
      %dma_wait3A_400 = arith.constant 0 : i32
      %dma_wait3A_401 = arith.constant 0 : i32
      %dma_wait3A_402 = tpu.memref_slice %arg6[%dma_wait3A_399, %dma_wait3A_400, %dma_wait3A_401] : memref<10x64x128xf32, #tpu.memory_space<vmem>> -> memref<1x64x128xf32, #tpu.memory_space<vmem>>
      %dma_wait3A_403 = tpu.memref_squeeze %dma_wait3A_402 : memref<1x64x128xf32, #tpu.memory_space<vmem>> -> memref<64x128xf32, #tpu.memory_space<vmem>>
      %dma_wait3A_404 = arith.constant 0 : i32
      %dma_wait3A_405 = tpu.memref_slice %arg5[%dma_wait3A_404] : memref<6400xi32, #tpu.memory_space<vmem>> -> memref<64xi32, #tpu.memory_space<vmem>>
      %dma_wait3A_406 = arith.constant 0 : i32
      %dma_wait3A_407 = arith.constant 0 : i32
      %dma_wait3A_408 = tpu.memref_slice %arg3[%dma_wait3A_406, %dma_wait3A_407] : memref<100000x128xf32, #tpu.memory_space<hbm>> -> memref<100000x128xf32, #tpu.memory_space<hbm>>
      tpu.wait_indirect_dma semaphore(%arg16 : memref<!tpu.dma_semaphore, #tpu.memory_space<semaphore_mem>>) src(%dma_wait3A_408 : memref<100000x128xf32, #tpu.memory_space<hbm>>) dst(%dma_wait3A_403 : memref<64x128xf32, #tpu.memory_space<vmem>>)
      %mul3A_409 = arith.constant 64 : i32
      %mul3A_410 = arith.muli %add3A_398, %mul3A_409 : i32
      %multiple_of3A_411 = tpu.assume_multiple %mul3A_410, 64 : i32
      %add3A_412 = arith.addi %mul3A_2, %multiple_of3A_411 : i32
      %dma_start3A_413 = arith.constant 9 : i32
      %dma_start3A_414 = arith.constant 0 : i32
      %dma_start3A_415 = arith.constant 0 : i32
      %dma_start3A_416 = tpu.memref_slice %arg6[%dma_start3A_413, %dma_start3A_414, %dma_start3A_415] : memref<10x64x128xf32, #tpu.memory_space<vmem>> -> memref<1x64x128xf32, #tpu.memory_space<vmem>>
      %dma_start3A_417 = tpu.memref_squeeze %dma_start3A_416 : memref<1x64x128xf32, #tpu.memory_space<vmem>> -> memref<64x128xf32, #tpu.memory_space<vmem>>
      %dma_start3A_418 = arith.constant 0 : i32
      %dma_start3A_419 = tpu.memref_slice %arg4[%add3A_412, %dma_start3A_418] : memref<204800x128xf32, #tpu.memory_space<hbm>> -> memref<64x128xf32, #tpu.memory_space<hbm>>
      %dma_start3A_420 = arith.constant 0 : i32
      %dma_start3A_421 = tpu.memref_slice %arg4[%add3A_412, %dma_start3A_420] : memref<204800x128xf32, #tpu.memory_space<hbm>> -> memref<64x128xf32, #tpu.memory_space<hbm>>
      %dma_start3A_422 = arith.constant 0 : i32
      %dma_start3A_423 = arith.constant 0 : i32
      %dma_start3A_424 = tpu.memref_slice %arg6[%dma_start3A_413, %dma_start3A_422, %dma_start3A_423] : memref<10x64x128xf32, #tpu.memory_space<vmem>> -> memref<1x64x128xf32, #tpu.memory_space<vmem>>
      %dma_start3A_425 = tpu.memref_squeeze %dma_start3A_424 : memref<1x64x128xf32, #tpu.memory_space<vmem>> -> memref<64x128xf32, #tpu.memory_space<vmem>>
      tpu.enqueue_dma source(%dma_start3A_425 : memref<64x128xf32, #tpu.memory_space<vmem>>) target(%dma_start3A_421 : memref<64x128xf32, #tpu.memory_space<hbm>>) target_semaphore(%arg26 : memref<!tpu.dma_semaphore, #tpu.memory_space<semaphore_mem>>)
      %dma_wait3A_426 = arith.constant 0 : i32
      %dma_wait3A_427 = arith.constant 0 : i32
      %dma_wait3A_428 = arith.constant 0 : i32
      %dma_wait3A_429 = tpu.memref_slice %arg6[%dma_wait3A_426, %dma_wait3A_427, %dma_wait3A_428] : memref<10x64x128xf32, #tpu.memory_space<vmem>> -> memref<1x64x128xf32, #tpu.memory_space<vmem>>
      %dma_wait3A_430 = tpu.memref_squeeze %dma_wait3A_429 : memref<1x64x128xf32, #tpu.memory_space<vmem>> -> memref<64x128xf32, #tpu.memory_space<vmem>>
      %dma_wait3A_431 = arith.constant 0 : i32
      %dma_wait3A_432 = tpu.memref_slice %arg4[%mul3A_2, %dma_wait3A_431] : memref<204800x128xf32, #tpu.memory_space<hbm>> -> memref<64x128xf32, #tpu.memory_space<hbm>>
      %dma_wait3A_433 = arith.constant 0 : i32
      %dma_wait3A_434 = tpu.memref_slice %arg4[%mul3A_2, %dma_wait3A_433] : memref<204800x128xf32, #tpu.memory_space<hbm>> -> memref<64x128xf32, #tpu.memory_space<hbm>>
      %dma_wait3A_435 = arith.constant 0 : i32
      %dma_wait3A_436 = arith.constant 0 : i32
      %dma_wait3A_437 = tpu.memref_slice %arg6[%dma_wait3A_426, %dma_wait3A_435, %dma_wait3A_436] : memref<10x64x128xf32, #tpu.memory_space<vmem>> -> memref<1x64x128xf32, #tpu.memory_space<vmem>>
      %dma_wait3A_438 = tpu.memref_squeeze %dma_wait3A_437 : memref<1x64x128xf32, #tpu.memory_space<vmem>> -> memref<64x128xf32, #tpu.memory_space<vmem>>
      tpu.wait_dma2 semaphore(%arg17 : memref<!tpu.dma_semaphore, #tpu.memory_space<semaphore_mem>>) src(%dma_wait3A_438 : memref<64x128xf32, #tpu.memory_space<vmem>>) dst(%dma_wait3A_434 : memref<64x128xf32, #tpu.memory_space<hbm>>)
      %add3A_439 = arith.constant 1 : i32
      %add3A_440 = arith.addi %scan3A_116, %add3A_439 : i32
      %lt3A = arith.constant 10 : i32
      %lt3A_441 = arith.cmpi slt, %add3A_440, %lt3A : i32
      %convert_element_type3A = arith.extui %lt3A_441 : i1 to i32
      %cond3A = arith.constant 0 : i32
      %cond3A_442 = arith.cmpi ne, %convert_element_type3A, %cond3A : i32
      scf.if %cond3A_442 {
        %add3A_623 = arith.constant 1 : i32
        %add3A_624 = arith.addi %scan3A_116, %add3A_623 : i32
        %mul3A_625 = arith.constant 10 : i32
        %mul3A_626 = arith.muli %add3A_624, %mul3A_625 : i32
        %add3A_627 = arith.constant 0 : i32
        %add3A_628 = arith.addi %mul3A_626, %add3A_627 : i32
        %mul3A_629 = arith.constant 64 : i32
        %mul3A_630 = arith.muli %add3A_628, %mul3A_629 : i32
        %multiple_of3A_631 = tpu.assume_multiple %mul3A_630, 64 : i32
        %dma_start3A_632 = arith.constant 0 : i32
        %dma_start3A_633 = arith.constant 0 : i32
        %dma_start3A_634 = arith.constant 0 : i32
        %dma_start3A_635 = tpu.memref_slice %arg6[%dma_start3A_632, %dma_start3A_633, %dma_start3A_634] : memref<10x64x128xf32, #tpu.memory_space<vmem>> -> memref<1x64x128xf32, #tpu.memory_space<vmem>>
        %dma_start3A_636 = tpu.memref_squeeze %dma_start3A_635 : memref<1x64x128xf32, #tpu.memory_space<vmem>> -> memref<64x128xf32, #tpu.memory_space<vmem>>
        %dma_start3A_637 = tpu.memref_slice %arg5[%multiple_of3A_631] : memref<6400xi32, #tpu.memory_space<vmem>> -> memref<64xi32, #tpu.memory_space<vmem>>
        %dma_start3A_638 = arith.constant 0 : i32
        %dma_start3A_639 = arith.constant 0 : i32
        %dma_start3A_640 = tpu.memref_slice %arg3[%dma_start3A_638, %dma_start3A_639] : memref<100000x128xf32, #tpu.memory_space<hbm>> -> memref<100000x128xf32, #tpu.memory_space<hbm>>
        tpu.enqueue_indirect_dma source(%dma_start3A_640 : memref<100000x128xf32, #tpu.memory_space<hbm>>) target(%dma_start3A_636 : memref<64x128xf32, #tpu.memory_space<vmem>>) offsets(%dma_start3A_637 : memref<64xi32, #tpu.memory_space<vmem>>) semaphore(%arg7 : memref<!tpu.dma_semaphore, #tpu.memory_space<semaphore_mem>>)
      } else {
      }
      %dma_wait3A_443 = arith.constant 1 : i32
      %dma_wait3A_444 = arith.constant 0 : i32
      %dma_wait3A_445 = arith.constant 0 : i32
      %dma_wait3A_446 = tpu.memref_slice %arg6[%dma_wait3A_443, %dma_wait3A_444, %dma_wait3A_445] : memref<10x64x128xf32, #tpu.memory_space<vmem>> -> memref<1x64x128xf32, #tpu.memory_space<vmem>>
      %dma_wait3A_447 = tpu.memref_squeeze %dma_wait3A_446 : memref<1x64x128xf32, #tpu.memory_space<vmem>> -> memref<64x128xf32, #tpu.memory_space<vmem>>
      %dma_wait3A_448 = arith.constant 0 : i32
      %dma_wait3A_449 = tpu.memref_slice %arg4[%mul3A_2, %dma_wait3A_448] : memref<204800x128xf32, #tpu.memory_space<hbm>> -> memref<64x128xf32, #tpu.memory_space<hbm>>
      %dma_wait3A_450 = arith.constant 0 : i32
      %dma_wait3A_451 = tpu.memref_slice %arg4[%mul3A_2, %dma_wait3A_450] : memref<204800x128xf32, #tpu.memory_space<hbm>> -> memref<64x128xf32, #tpu.memory_space<hbm>>
      %dma_wait3A_452 = arith.constant 0 : i32
      %dma_wait3A_453 = arith.constant 0 : i32
      %dma_wait3A_454 = tpu.memref_slice %arg6[%dma_wait3A_443, %dma_wait3A_452, %dma_wait3A_453] : memref<10x64x128xf32, #tpu.memory_space<vmem>> -> memref<1x64x128xf32, #tpu.memory_space<vmem>>
      %dma_wait3A_455 = tpu.memref_squeeze %dma_wait3A_454 : memref<1x64x128xf32, #tpu.memory_space<vmem>> -> memref<64x128xf32, #tpu.memory_space<vmem>>
      tpu.wait_dma2 semaphore(%arg18 : memref<!tpu.dma_semaphore, #tpu.memory_space<semaphore_mem>>) src(%dma_wait3A_455 : memref<64x128xf32, #tpu.memory_space<vmem>>) dst(%dma_wait3A_451 : memref<64x128xf32, #tpu.memory_space<hbm>>)
      %add3A_456 = arith.constant 1 : i32
      %add3A_457 = arith.addi %scan3A_116, %add3A_456 : i32
      %lt3A_458 = arith.constant 10 : i32
      %lt3A_459 = arith.cmpi slt, %add3A_457, %lt3A_458 : i32
      %convert_element_type3A_460 = arith.extui %lt3A_459 : i1 to i32
      %cond3A_461 = arith.constant 0 : i32
      %cond3A_462 = arith.cmpi ne, %convert_element_type3A_460, %cond3A_461 : i32
      scf.if %cond3A_462 {
        %add3A_623 = arith.constant 1 : i32
        %add3A_624 = arith.addi %scan3A_116, %add3A_623 : i32
        %mul3A_625 = arith.constant 10 : i32
        %mul3A_626 = arith.muli %add3A_624, %mul3A_625 : i32
        %add3A_627 = arith.constant 1 : i32
        %add3A_628 = arith.addi %mul3A_626, %add3A_627 : i32
        %mul3A_629 = arith.constant 64 : i32
        %mul3A_630 = arith.muli %add3A_628, %mul3A_629 : i32
        %multiple_of3A_631 = tpu.assume_multiple %mul3A_630, 64 : i32
        %dma_start3A_632 = arith.constant 1 : i32
        %dma_start3A_633 = arith.constant 0 : i32
        %dma_start3A_634 = arith.constant 0 : i32
        %dma_start3A_635 = tpu.memref_slice %arg6[%dma_start3A_632, %dma_start3A_633, %dma_start3A_634] : memref<10x64x128xf32, #tpu.memory_space<vmem>> -> memref<1x64x128xf32, #tpu.memory_space<vmem>>
        %dma_start3A_636 = tpu.memref_squeeze %dma_start3A_635 : memref<1x64x128xf32, #tpu.memory_space<vmem>> -> memref<64x128xf32, #tpu.memory_space<vmem>>
        %dma_start3A_637 = tpu.memref_slice %arg5[%multiple_of3A_631] : memref<6400xi32, #tpu.memory_space<vmem>> -> memref<64xi32, #tpu.memory_space<vmem>>
        %dma_start3A_638 = arith.constant 0 : i32
        %dma_start3A_639 = arith.constant 0 : i32
        %dma_start3A_640 = tpu.memref_slice %arg3[%dma_start3A_638, %dma_start3A_639] : memref<100000x128xf32, #tpu.memory_space<hbm>> -> memref<100000x128xf32, #tpu.memory_space<hbm>>
        tpu.enqueue_indirect_dma source(%dma_start3A_640 : memref<100000x128xf32, #tpu.memory_space<hbm>>) target(%dma_start3A_636 : memref<64x128xf32, #tpu.memory_space<vmem>>) offsets(%dma_start3A_637 : memref<64xi32, #tpu.memory_space<vmem>>) semaphore(%arg8 : memref<!tpu.dma_semaphore, #tpu.memory_space<semaphore_mem>>)
      } else {
      }
      %dma_wait3A_463 = arith.constant 2 : i32
      %dma_wait3A_464 = arith.constant 0 : i32
      %dma_wait3A_465 = arith.constant 0 : i32
      %dma_wait3A_466 = tpu.memref_slice %arg6[%dma_wait3A_463, %dma_wait3A_464, %dma_wait3A_465] : memref<10x64x128xf32, #tpu.memory_space<vmem>> -> memref<1x64x128xf32, #tpu.memory_space<vmem>>
      %dma_wait3A_467 = tpu.memref_squeeze %dma_wait3A_466 : memref<1x64x128xf32, #tpu.memory_space<vmem>> -> memref<64x128xf32, #tpu.memory_space<vmem>>
      %dma_wait3A_468 = arith.constant 0 : i32
      %dma_wait3A_469 = tpu.memref_slice %arg4[%mul3A_2, %dma_wait3A_468] : memref<204800x128xf32, #tpu.memory_space<hbm>> -> memref<64x128xf32, #tpu.memory_space<hbm>>
      %dma_wait3A_470 = arith.constant 0 : i32
      %dma_wait3A_471 = tpu.memref_slice %arg4[%mul3A_2, %dma_wait3A_470] : memref<204800x128xf32, #tpu.memory_space<hbm>> -> memref<64x128xf32, #tpu.memory_space<hbm>>
      %dma_wait3A_472 = arith.constant 0 : i32
      %dma_wait3A_473 = arith.constant 0 : i32
      %dma_wait3A_474 = tpu.memref_slice %arg6[%dma_wait3A_463, %dma_wait3A_472, %dma_wait3A_473] : memref<10x64x128xf32, #tpu.memory_space<vmem>> -> memref<1x64x128xf32, #tpu.memory_space<vmem>>
      %dma_wait3A_475 = tpu.memref_squeeze %dma_wait3A_474 : memref<1x64x128xf32, #tpu.memory_space<vmem>> -> memref<64x128xf32, #tpu.memory_space<vmem>>
      tpu.wait_dma2 semaphore(%arg19 : memref<!tpu.dma_semaphore, #tpu.memory_space<semaphore_mem>>) src(%dma_wait3A_475 : memref<64x128xf32, #tpu.memory_space<vmem>>) dst(%dma_wait3A_471 : memref<64x128xf32, #tpu.memory_space<hbm>>)
      %add3A_476 = arith.constant 1 : i32
      %add3A_477 = arith.addi %scan3A_116, %add3A_476 : i32
      %lt3A_478 = arith.constant 10 : i32
      %lt3A_479 = arith.cmpi slt, %add3A_477, %lt3A_478 : i32
      %convert_element_type3A_480 = arith.extui %lt3A_479 : i1 to i32
      %cond3A_481 = arith.constant 0 : i32
      %cond3A_482 = arith.cmpi ne, %convert_element_type3A_480, %cond3A_481 : i32
      scf.if %cond3A_482 {
        %add3A_623 = arith.constant 1 : i32
        %add3A_624 = arith.addi %scan3A_116, %add3A_623 : i32
        %mul3A_625 = arith.constant 10 : i32
        %mul3A_626 = arith.muli %add3A_624, %mul3A_625 : i32
        %add3A_627 = arith.constant 2 : i32
        %add3A_628 = arith.addi %mul3A_626, %add3A_627 : i32
        %mul3A_629 = arith.constant 64 : i32
        %mul3A_630 = arith.muli %add3A_628, %mul3A_629 : i32
        %multiple_of3A_631 = tpu.assume_multiple %mul3A_630, 64 : i32
        %dma_start3A_632 = arith.constant 2 : i32
        %dma_start3A_633 = arith.constant 0 : i32
        %dma_start3A_634 = arith.constant 0 : i32
        %dma_start3A_635 = tpu.memref_slice %arg6[%dma_start3A_632, %dma_start3A_633, %dma_start3A_634] : memref<10x64x128xf32, #tpu.memory_space<vmem>> -> memref<1x64x128xf32, #tpu.memory_space<vmem>>
        %dma_start3A_636 = tpu.memref_squeeze %dma_start3A_635 : memref<1x64x128xf32, #tpu.memory_space<vmem>> -> memref<64x128xf32, #tpu.memory_space<vmem>>
        %dma_start3A_637 = tpu.memref_slice %arg5[%multiple_of3A_631] : memref<6400xi32, #tpu.memory_space<vmem>> -> memref<64xi32, #tpu.memory_space<vmem>>
        %dma_start3A_638 = arith.constant 0 : i32
        %dma_start3A_639 = arith.constant 0 : i32
        %dma_start3A_640 = tpu.memref_slice %arg3[%dma_start3A_638, %dma_start3A_639] : memref<100000x128xf32, #tpu.memory_space<hbm>> -> memref<100000x128xf32, #tpu.memory_space<hbm>>
        tpu.enqueue_indirect_dma source(%dma_start3A_640 : memref<100000x128xf32, #tpu.memory_space<hbm>>) target(%dma_start3A_636 : memref<64x128xf32, #tpu.memory_space<vmem>>) offsets(%dma_start3A_637 : memref<64xi32, #tpu.memory_space<vmem>>) semaphore(%arg9 : memref<!tpu.dma_semaphore, #tpu.memory_space<semaphore_mem>>)
      } else {
      }
      %dma_wait3A_483 = arith.constant 3 : i32
      %dma_wait3A_484 = arith.constant 0 : i32
      %dma_wait3A_485 = arith.constant 0 : i32
      %dma_wait3A_486 = tpu.memref_slice %arg6[%dma_wait3A_483, %dma_wait3A_484, %dma_wait3A_485] : memref<10x64x128xf32, #tpu.memory_space<vmem>> -> memref<1x64x128xf32, #tpu.memory_space<vmem>>
      %dma_wait3A_487 = tpu.memref_squeeze %dma_wait3A_486 : memref<1x64x128xf32, #tpu.memory_space<vmem>> -> memref<64x128xf32, #tpu.memory_space<vmem>>
      %dma_wait3A_488 = arith.constant 0 : i32
      %dma_wait3A_489 = tpu.memref_slice %arg4[%mul3A_2, %dma_wait3A_488] : memref<204800x128xf32, #tpu.memory_space<hbm>> -> memref<64x128xf32, #tpu.memory_space<hbm>>
      %dma_wait3A_490 = arith.constant 0 : i32
      %dma_wait3A_491 = tpu.memref_slice %arg4[%mul3A_2, %dma_wait3A_490] : memref<204800x128xf32, #tpu.memory_space<hbm>> -> memref<64x128xf32, #tpu.memory_space<hbm>>
      %dma_wait3A_492 = arith.constant 0 : i32
      %dma_wait3A_493 = arith.constant 0 : i32
      %dma_wait3A_494 = tpu.memref_slice %arg6[%dma_wait3A_483, %dma_wait3A_492, %dma_wait3A_493] : memref<10x64x128xf32, #tpu.memory_space<vmem>> -> memref<1x64x128xf32, #tpu.memory_space<vmem>>
      %dma_wait3A_495 = tpu.memref_squeeze %dma_wait3A_494 : memref<1x64x128xf32, #tpu.memory_space<vmem>> -> memref<64x128xf32, #tpu.memory_space<vmem>>
      tpu.wait_dma2 semaphore(%arg20 : memref<!tpu.dma_semaphore, #tpu.memory_space<semaphore_mem>>) src(%dma_wait3A_495 : memref<64x128xf32, #tpu.memory_space<vmem>>) dst(%dma_wait3A_491 : memref<64x128xf32, #tpu.memory_space<hbm>>)
      %add3A_496 = arith.constant 1 : i32
      %add3A_497 = arith.addi %scan3A_116, %add3A_496 : i32
      %lt3A_498 = arith.constant 10 : i32
      %lt3A_499 = arith.cmpi slt, %add3A_497, %lt3A_498 : i32
      %convert_element_type3A_500 = arith.extui %lt3A_499 : i1 to i32
      %cond3A_501 = arith.constant 0 : i32
      %cond3A_502 = arith.cmpi ne, %convert_element_type3A_500, %cond3A_501 : i32
      scf.if %cond3A_502 {
        %add3A_623 = arith.constant 1 : i32
        %add3A_624 = arith.addi %scan3A_116, %add3A_623 : i32
        %mul3A_625 = arith.constant 10 : i32
        %mul3A_626 = arith.muli %add3A_624, %mul3A_625 : i32
        %add3A_627 = arith.constant 3 : i32
        %add3A_628 = arith.addi %mul3A_626, %add3A_627 : i32
        %mul3A_629 = arith.constant 64 : i32
        %mul3A_630 = arith.muli %add3A_628, %mul3A_629 : i32
        %multiple_of3A_631 = tpu.assume_multiple %mul3A_630, 64 : i32
        %dma_start3A_632 = arith.constant 3 : i32
        %dma_start3A_633 = arith.constant 0 : i32
        %dma_start3A_634 = arith.constant 0 : i32
        %dma_start3A_635 = tpu.memref_slice %arg6[%dma_start3A_632, %dma_start3A_633, %dma_start3A_634] : memref<10x64x128xf32, #tpu.memory_space<vmem>> -> memref<1x64x128xf32, #tpu.memory_space<vmem>>
        %dma_start3A_636 = tpu.memref_squeeze %dma_start3A_635 : memref<1x64x128xf32, #tpu.memory_space<vmem>> -> memref<64x128xf32, #tpu.memory_space<vmem>>
        %dma_start3A_637 = tpu.memref_slice %arg5[%multiple_of3A_631] : memref<6400xi32, #tpu.memory_space<vmem>> -> memref<64xi32, #tpu.memory_space<vmem>>
        %dma_start3A_638 = arith.constant 0 : i32
        %dma_start3A_639 = arith.constant 0 : i32
        %dma_start3A_640 = tpu.memref_slice %arg3[%dma_start3A_638, %dma_start3A_639] : memref<100000x128xf32, #tpu.memory_space<hbm>> -> memref<100000x128xf32, #tpu.memory_space<hbm>>
        tpu.enqueue_indirect_dma source(%dma_start3A_640 : memref<100000x128xf32, #tpu.memory_space<hbm>>) target(%dma_start3A_636 : memref<64x128xf32, #tpu.memory_space<vmem>>) offsets(%dma_start3A_637 : memref<64xi32, #tpu.memory_space<vmem>>) semaphore(%arg10 : memref<!tpu.dma_semaphore, #tpu.memory_space<semaphore_mem>>)
      } else {
      }
      %dma_wait3A_503 = arith.constant 4 : i32
      %dma_wait3A_504 = arith.constant 0 : i32
      %dma_wait3A_505 = arith.constant 0 : i32
      %dma_wait3A_506 = tpu.memref_slice %arg6[%dma_wait3A_503, %dma_wait3A_504, %dma_wait3A_505] : memref<10x64x128xf32, #tpu.memory_space<vmem>> -> memref<1x64x128xf32, #tpu.memory_space<vmem>>
      %dma_wait3A_507 = tpu.memref_squeeze %dma_wait3A_506 : memref<1x64x128xf32, #tpu.memory_space<vmem>> -> memref<64x128xf32, #tpu.memory_space<vmem>>
      %dma_wait3A_508 = arith.constant 0 : i32
      %dma_wait3A_509 = tpu.memref_slice %arg4[%mul3A_2, %dma_wait3A_508] : memref<204800x128xf32, #tpu.memory_space<hbm>> -> memref<64x128xf32, #tpu.memory_space<hbm>>
      %dma_wait3A_510 = arith.constant 0 : i32
      %dma_wait3A_511 = tpu.memref_slice %arg4[%mul3A_2, %dma_wait3A_510] : memref<204800x128xf32, #tpu.memory_space<hbm>> -> memref<64x128xf32, #tpu.memory_space<hbm>>
      %dma_wait3A_512 = arith.constant 0 : i32
      %dma_wait3A_513 = arith.constant 0 : i32
      %dma_wait3A_514 = tpu.memref_slice %arg6[%dma_wait3A_503, %dma_wait3A_512, %dma_wait3A_513] : memref<10x64x128xf32, #tpu.memory_space<vmem>> -> memref<1x64x128xf32, #tpu.memory_space<vmem>>
      %dma_wait3A_515 = tpu.memref_squeeze %dma_wait3A_514 : memref<1x64x128xf32, #tpu.memory_space<vmem>> -> memref<64x128xf32, #tpu.memory_space<vmem>>
      tpu.wait_dma2 semaphore(%arg21 : memref<!tpu.dma_semaphore, #tpu.memory_space<semaphore_mem>>) src(%dma_wait3A_515 : memref<64x128xf32, #tpu.memory_space<vmem>>) dst(%dma_wait3A_511 : memref<64x128xf32, #tpu.memory_space<hbm>>)
      %add3A_516 = arith.constant 1 : i32
      %add3A_517 = arith.addi %scan3A_116, %add3A_516 : i32
      %lt3A_518 = arith.constant 10 : i32
      %lt3A_519 = arith.cmpi slt, %add3A_517, %lt3A_518 : i32
      %convert_element_type3A_520 = arith.extui %lt3A_519 : i1 to i32
      %cond3A_521 = arith.constant 0 : i32
      %cond3A_522 = arith.cmpi ne, %convert_element_type3A_520, %cond3A_521 : i32
      scf.if %cond3A_522 {
        %add3A_623 = arith.constant 1 : i32
        %add3A_624 = arith.addi %scan3A_116, %add3A_623 : i32
        %mul3A_625 = arith.constant 10 : i32
        %mul3A_626 = arith.muli %add3A_624, %mul3A_625 : i32
        %add3A_627 = arith.constant 4 : i32
        %add3A_628 = arith.addi %mul3A_626, %add3A_627 : i32
        %mul3A_629 = arith.constant 64 : i32
        %mul3A_630 = arith.muli %add3A_628, %mul3A_629 : i32
        %multiple_of3A_631 = tpu.assume_multiple %mul3A_630, 64 : i32
        %dma_start3A_632 = arith.constant 4 : i32
        %dma_start3A_633 = arith.constant 0 : i32
        %dma_start3A_634 = arith.constant 0 : i32
        %dma_start3A_635 = tpu.memref_slice %arg6[%dma_start3A_632, %dma_start3A_633, %dma_start3A_634] : memref<10x64x128xf32, #tpu.memory_space<vmem>> -> memref<1x64x128xf32, #tpu.memory_space<vmem>>
        %dma_start3A_636 = tpu.memref_squeeze %dma_start3A_635 : memref<1x64x128xf32, #tpu.memory_space<vmem>> -> memref<64x128xf32, #tpu.memory_space<vmem>>
        %dma_start3A_637 = tpu.memref_slice %arg5[%multiple_of3A_631] : memref<6400xi32, #tpu.memory_space<vmem>> -> memref<64xi32, #tpu.memory_space<vmem>>
        %dma_start3A_638 = arith.constant 0 : i32
        %dma_start3A_639 = arith.constant 0 : i32
        %dma_start3A_640 = tpu.memref_slice %arg3[%dma_start3A_638, %dma_start3A_639] : memref<100000x128xf32, #tpu.memory_space<hbm>> -> memref<100000x128xf32, #tpu.memory_space<hbm>>
        tpu.enqueue_indirect_dma source(%dma_start3A_640 : memref<100000x128xf32, #tpu.memory_space<hbm>>) target(%dma_start3A_636 : memref<64x128xf32, #tpu.memory_space<vmem>>) offsets(%dma_start3A_637 : memref<64xi32, #tpu.memory_space<vmem>>) semaphore(%arg11 : memref<!tpu.dma_semaphore, #tpu.memory_space<semaphore_mem>>)
      } else {
      }
      %dma_wait3A_523 = arith.constant 5 : i32
      %dma_wait3A_524 = arith.constant 0 : i32
      %dma_wait3A_525 = arith.constant 0 : i32
      %dma_wait3A_526 = tpu.memref_slice %arg6[%dma_wait3A_523, %dma_wait3A_524, %dma_wait3A_525] : memref<10x64x128xf32, #tpu.memory_space<vmem>> -> memref<1x64x128xf32, #tpu.memory_space<vmem>>
      %dma_wait3A_527 = tpu.memref_squeeze %dma_wait3A_526 : memref<1x64x128xf32, #tpu.memory_space<vmem>> -> memref<64x128xf32, #tpu.memory_space<vmem>>
      %dma_wait3A_528 = arith.constant 0 : i32
      %dma_wait3A_529 = tpu.memref_slice %arg4[%mul3A_2, %dma_wait3A_528] : memref<204800x128xf32, #tpu.memory_space<hbm>> -> memref<64x128xf32, #tpu.memory_space<hbm>>
      %dma_wait3A_530 = arith.constant 0 : i32
      %dma_wait3A_531 = tpu.memref_slice %arg4[%mul3A_2, %dma_wait3A_530] : memref<204800x128xf32, #tpu.memory_space<hbm>> -> memref<64x128xf32, #tpu.memory_space<hbm>>
      %dma_wait3A_532 = arith.constant 0 : i32
      %dma_wait3A_533 = arith.constant 0 : i32
      %dma_wait3A_534 = tpu.memref_slice %arg6[%dma_wait3A_523, %dma_wait3A_532, %dma_wait3A_533] : memref<10x64x128xf32, #tpu.memory_space<vmem>> -> memref<1x64x128xf32, #tpu.memory_space<vmem>>
      %dma_wait3A_535 = tpu.memref_squeeze %dma_wait3A_534 : memref<1x64x128xf32, #tpu.memory_space<vmem>> -> memref<64x128xf32, #tpu.memory_space<vmem>>
      tpu.wait_dma2 semaphore(%arg22 : memref<!tpu.dma_semaphore, #tpu.memory_space<semaphore_mem>>) src(%dma_wait3A_535 : memref<64x128xf32, #tpu.memory_space<vmem>>) dst(%dma_wait3A_531 : memref<64x128xf32, #tpu.memory_space<hbm>>)
      %add3A_536 = arith.constant 1 : i32
      %add3A_537 = arith.addi %scan3A_116, %add3A_536 : i32
      %lt3A_538 = arith.constant 10 : i32
      %lt3A_539 = arith.cmpi slt, %add3A_537, %lt3A_538 : i32
      %convert_element_type3A_540 = arith.extui %lt3A_539 : i1 to i32
      %cond3A_541 = arith.constant 0 : i32
      %cond3A_542 = arith.cmpi ne, %convert_element_type3A_540, %cond3A_541 : i32
      scf.if %cond3A_542 {
        %add3A_623 = arith.constant 1 : i32
        %add3A_624 = arith.addi %scan3A_116, %add3A_623 : i32
        %mul3A_625 = arith.constant 10 : i32
        %mul3A_626 = arith.muli %add3A_624, %mul3A_625 : i32
        %add3A_627 = arith.constant 5 : i32
        %add3A_628 = arith.addi %mul3A_626, %add3A_627 : i32
        %mul3A_629 = arith.constant 64 : i32
        %mul3A_630 = arith.muli %add3A_628, %mul3A_629 : i32
        %multiple_of3A_631 = tpu.assume_multiple %mul3A_630, 64 : i32
        %dma_start3A_632 = arith.constant 5 : i32
        %dma_start3A_633 = arith.constant 0 : i32
        %dma_start3A_634 = arith.constant 0 : i32
        %dma_start3A_635 = tpu.memref_slice %arg6[%dma_start3A_632, %dma_start3A_633, %dma_start3A_634] : memref<10x64x128xf32, #tpu.memory_space<vmem>> -> memref<1x64x128xf32, #tpu.memory_space<vmem>>
        %dma_start3A_636 = tpu.memref_squeeze %dma_start3A_635 : memref<1x64x128xf32, #tpu.memory_space<vmem>> -> memref<64x128xf32, #tpu.memory_space<vmem>>
        %dma_start3A_637 = tpu.memref_slice %arg5[%multiple_of3A_631] : memref<6400xi32, #tpu.memory_space<vmem>> -> memref<64xi32, #tpu.memory_space<vmem>>
        %dma_start3A_638 = arith.constant 0 : i32
        %dma_start3A_639 = arith.constant 0 : i32
        %dma_start3A_640 = tpu.memref_slice %arg3[%dma_start3A_638, %dma_start3A_639] : memref<100000x128xf32, #tpu.memory_space<hbm>> -> memref<100000x128xf32, #tpu.memory_space<hbm>>
        tpu.enqueue_indirect_dma source(%dma_start3A_640 : memref<100000x128xf32, #tpu.memory_space<hbm>>) target(%dma_start3A_636 : memref<64x128xf32, #tpu.memory_space<vmem>>) offsets(%dma_start3A_637 : memref<64xi32, #tpu.memory_space<vmem>>) semaphore(%arg12 : memref<!tpu.dma_semaphore, #tpu.memory_space<semaphore_mem>>)
      } else {
      }
      %dma_wait3A_543 = arith.constant 6 : i32
      %dma_wait3A_544 = arith.constant 0 : i32
      %dma_wait3A_545 = arith.constant 0 : i32
      %dma_wait3A_546 = tpu.memref_slice %arg6[%dma_wait3A_543, %dma_wait3A_544, %dma_wait3A_545] : memref<10x64x128xf32, #tpu.memory_space<vmem>> -> memref<1x64x128xf32, #tpu.memory_space<vmem>>
      %dma_wait3A_547 = tpu.memref_squeeze %dma_wait3A_546 : memref<1x64x128xf32, #tpu.memory_space<vmem>> -> memref<64x128xf32, #tpu.memory_space<vmem>>
      %dma_wait3A_548 = arith.constant 0 : i32
      %dma_wait3A_549 = tpu.memref_slice %arg4[%mul3A_2, %dma_wait3A_548] : memref<204800x128xf32, #tpu.memory_space<hbm>> -> memref<64x128xf32, #tpu.memory_space<hbm>>
      %dma_wait3A_550 = arith.constant 0 : i32
      %dma_wait3A_551 = tpu.memref_slice %arg4[%mul3A_2, %dma_wait3A_550] : memref<204800x128xf32, #tpu.memory_space<hbm>> -> memref<64x128xf32, #tpu.memory_space<hbm>>
      %dma_wait3A_552 = arith.constant 0 : i32
      %dma_wait3A_553 = arith.constant 0 : i32
      %dma_wait3A_554 = tpu.memref_slice %arg6[%dma_wait3A_543, %dma_wait3A_552, %dma_wait3A_553] : memref<10x64x128xf32, #tpu.memory_space<vmem>> -> memref<1x64x128xf32, #tpu.memory_space<vmem>>
      %dma_wait3A_555 = tpu.memref_squeeze %dma_wait3A_554 : memref<1x64x128xf32, #tpu.memory_space<vmem>> -> memref<64x128xf32, #tpu.memory_space<vmem>>
      tpu.wait_dma2 semaphore(%arg23 : memref<!tpu.dma_semaphore, #tpu.memory_space<semaphore_mem>>) src(%dma_wait3A_555 : memref<64x128xf32, #tpu.memory_space<vmem>>) dst(%dma_wait3A_551 : memref<64x128xf32, #tpu.memory_space<hbm>>)
      %add3A_556 = arith.constant 1 : i32
      %add3A_557 = arith.addi %scan3A_116, %add3A_556 : i32
      %lt3A_558 = arith.constant 10 : i32
      %lt3A_559 = arith.cmpi slt, %add3A_557, %lt3A_558 : i32
      %convert_element_type3A_560 = arith.extui %lt3A_559 : i1 to i32
      %cond3A_561 = arith.constant 0 : i32
      %cond3A_562 = arith.cmpi ne, %convert_element_type3A_560, %cond3A_561 : i32
      scf.if %cond3A_562 {
        %add3A_623 = arith.constant 1 : i32
        %add3A_624 = arith.addi %scan3A_116, %add3A_623 : i32
        %mul3A_625 = arith.constant 10 : i32
        %mul3A_626 = arith.muli %add3A_624, %mul3A_625 : i32
        %add3A_627 = arith.constant 6 : i32
        %add3A_628 = arith.addi %mul3A_626, %add3A_627 : i32
        %mul3A_629 = arith.constant 64 : i32
        %mul3A_630 = arith.muli %add3A_628, %mul3A_629 : i32
        %multiple_of3A_631 = tpu.assume_multiple %mul3A_630, 64 : i32
        %dma_start3A_632 = arith.constant 6 : i32
        %dma_start3A_633 = arith.constant 0 : i32
        %dma_start3A_634 = arith.constant 0 : i32
        %dma_start3A_635 = tpu.memref_slice %arg6[%dma_start3A_632, %dma_start3A_633, %dma_start3A_634] : memref<10x64x128xf32, #tpu.memory_space<vmem>> -> memref<1x64x128xf32, #tpu.memory_space<vmem>>
        %dma_start3A_636 = tpu.memref_squeeze %dma_start3A_635 : memref<1x64x128xf32, #tpu.memory_space<vmem>> -> memref<64x128xf32, #tpu.memory_space<vmem>>
        %dma_start3A_637 = tpu.memref_slice %arg5[%multiple_of3A_631] : memref<6400xi32, #tpu.memory_space<vmem>> -> memref<64xi32, #tpu.memory_space<vmem>>
        %dma_start3A_638 = arith.constant 0 : i32
        %dma_start3A_639 = arith.constant 0 : i32
        %dma_start3A_640 = tpu.memref_slice %arg3[%dma_start3A_638, %dma_start3A_639] : memref<100000x128xf32, #tpu.memory_space<hbm>> -> memref<100000x128xf32, #tpu.memory_space<hbm>>
        tpu.enqueue_indirect_dma source(%dma_start3A_640 : memref<100000x128xf32, #tpu.memory_space<hbm>>) target(%dma_start3A_636 : memref<64x128xf32, #tpu.memory_space<vmem>>) offsets(%dma_start3A_637 : memref<64xi32, #tpu.memory_space<vmem>>) semaphore(%arg13 : memref<!tpu.dma_semaphore, #tpu.memory_space<semaphore_mem>>)
      } else {
      }
      %dma_wait3A_563 = arith.constant 7 : i32
      %dma_wait3A_564 = arith.constant 0 : i32
      %dma_wait3A_565 = arith.constant 0 : i32
      %dma_wait3A_566 = tpu.memref_slice %arg6[%dma_wait3A_563, %dma_wait3A_564, %dma_wait3A_565] : memref<10x64x128xf32, #tpu.memory_space<vmem>> -> memref<1x64x128xf32, #tpu.memory_space<vmem>>
      %dma_wait3A_567 = tpu.memref_squeeze %dma_wait3A_566 : memref<1x64x128xf32, #tpu.memory_space<vmem>> -> memref<64x128xf32, #tpu.memory_space<vmem>>
      %dma_wait3A_568 = arith.constant 0 : i32
      %dma_wait3A_569 = tpu.memref_slice %arg4[%mul3A_2, %dma_wait3A_568] : memref<204800x128xf32, #tpu.memory_space<hbm>> -> memref<64x128xf32, #tpu.memory_space<hbm>>
      %dma_wait3A_570 = arith.constant 0 : i32
      %dma_wait3A_571 = tpu.memref_slice %arg4[%mul3A_2, %dma_wait3A_570] : memref<204800x128xf32, #tpu.memory_space<hbm>> -> memref<64x128xf32, #tpu.memory_space<hbm>>
      %dma_wait3A_572 = arith.constant 0 : i32
      %dma_wait3A_573 = arith.constant 0 : i32
      %dma_wait3A_574 = tpu.memref_slice %arg6[%dma_wait3A_563, %dma_wait3A_572, %dma_wait3A_573] : memref<10x64x128xf32, #tpu.memory_space<vmem>> -> memref<1x64x128xf32, #tpu.memory_space<vmem>>
      %dma_wait3A_575 = tpu.memref_squeeze %dma_wait3A_574 : memref<1x64x128xf32, #tpu.memory_space<vmem>> -> memref<64x128xf32, #tpu.memory_space<vmem>>
      tpu.wait_dma2 semaphore(%arg24 : memref<!tpu.dma_semaphore, #tpu.memory_space<semaphore_mem>>) src(%dma_wait3A_575 : memref<64x128xf32, #tpu.memory_space<vmem>>) dst(%dma_wait3A_571 : memref<64x128xf32, #tpu.memory_space<hbm>>)
      %add3A_576 = arith.constant 1 : i32
      %add3A_577 = arith.addi %scan3A_116, %add3A_576 : i32
      %lt3A_578 = arith.constant 10 : i32
      %lt3A_579 = arith.cmpi slt, %add3A_577, %lt3A_578 : i32
      %convert_element_type3A_580 = arith.extui %lt3A_579 : i1 to i32
      %cond3A_581 = arith.constant 0 : i32
      %cond3A_582 = arith.cmpi ne, %convert_element_type3A_580, %cond3A_581 : i32
      scf.if %cond3A_582 {
        %add3A_623 = arith.constant 1 : i32
        %add3A_624 = arith.addi %scan3A_116, %add3A_623 : i32
        %mul3A_625 = arith.constant 10 : i32
        %mul3A_626 = arith.muli %add3A_624, %mul3A_625 : i32
        %add3A_627 = arith.constant 7 : i32
        %add3A_628 = arith.addi %mul3A_626, %add3A_627 : i32
        %mul3A_629 = arith.constant 64 : i32
        %mul3A_630 = arith.muli %add3A_628, %mul3A_629 : i32
        %multiple_of3A_631 = tpu.assume_multiple %mul3A_630, 64 : i32
        %dma_start3A_632 = arith.constant 7 : i32
        %dma_start3A_633 = arith.constant 0 : i32
        %dma_start3A_634 = arith.constant 0 : i32
        %dma_start3A_635 = tpu.memref_slice %arg6[%dma_start3A_632, %dma_start3A_633, %dma_start3A_634] : memref<10x64x128xf32, #tpu.memory_space<vmem>> -> memref<1x64x128xf32, #tpu.memory_space<vmem>>
        %dma_start3A_636 = tpu.memref_squeeze %dma_start3A_635 : memref<1x64x128xf32, #tpu.memory_space<vmem>> -> memref<64x128xf32, #tpu.memory_space<vmem>>
        %dma_start3A_637 = tpu.memref_slice %arg5[%multiple_of3A_631] : memref<6400xi32, #tpu.memory_space<vmem>> -> memref<64xi32, #tpu.memory_space<vmem>>
        %dma_start3A_638 = arith.constant 0 : i32
        %dma_start3A_639 = arith.constant 0 : i32
        %dma_start3A_640 = tpu.memref_slice %arg3[%dma_start3A_638, %dma_start3A_639] : memref<100000x128xf32, #tpu.memory_space<hbm>> -> memref<100000x128xf32, #tpu.memory_space<hbm>>
        tpu.enqueue_indirect_dma source(%dma_start3A_640 : memref<100000x128xf32, #tpu.memory_space<hbm>>) target(%dma_start3A_636 : memref<64x128xf32, #tpu.memory_space<vmem>>) offsets(%dma_start3A_637 : memref<64xi32, #tpu.memory_space<vmem>>) semaphore(%arg14 : memref<!tpu.dma_semaphore, #tpu.memory_space<semaphore_mem>>)
      } else {
      }
      %dma_wait3A_583 = arith.constant 8 : i32
      %dma_wait3A_584 = arith.constant 0 : i32
      %dma_wait3A_585 = arith.constant 0 : i32
      %dma_wait3A_586 = tpu.memref_slice %arg6[%dma_wait3A_583, %dma_wait3A_584, %dma_wait3A_585] : memref<10x64x128xf32, #tpu.memory_space<vmem>> -> memref<1x64x128xf32, #tpu.memory_space<vmem>>
      %dma_wait3A_587 = tpu.memref_squeeze %dma_wait3A_586 : memref<1x64x128xf32, #tpu.memory_space<vmem>> -> memref<64x128xf32, #tpu.memory_space<vmem>>
      %dma_wait3A_588 = arith.constant 0 : i32
      %dma_wait3A_589 = tpu.memref_slice %arg4[%mul3A_2, %dma_wait3A_588] : memref<204800x128xf32, #tpu.memory_space<hbm>> -> memref<64x128xf32, #tpu.memory_space<hbm>>
      %dma_wait3A_590 = arith.constant 0 : i32
      %dma_wait3A_591 = tpu.memref_slice %arg4[%mul3A_2, %dma_wait3A_590] : memref<204800x128xf32, #tpu.memory_space<hbm>> -> memref<64x128xf32, #tpu.memory_space<hbm>>
      %dma_wait3A_592 = arith.constant 0 : i32
      %dma_wait3A_593 = arith.constant 0 : i32
      %dma_wait3A_594 = tpu.memref_slice %arg6[%dma_wait3A_583, %dma_wait3A_592, %dma_wait3A_593] : memref<10x64x128xf32, #tpu.memory_space<vmem>> -> memref<1x64x128xf32, #tpu.memory_space<vmem>>
      %dma_wait3A_595 = tpu.memref_squeeze %dma_wait3A_594 : memref<1x64x128xf32, #tpu.memory_space<vmem>> -> memref<64x128xf32, #tpu.memory_space<vmem>>
      tpu.wait_dma2 semaphore(%arg25 : memref<!tpu.dma_semaphore, #tpu.memory_space<semaphore_mem>>) src(%dma_wait3A_595 : memref<64x128xf32, #tpu.memory_space<vmem>>) dst(%dma_wait3A_591 : memref<64x128xf32, #tpu.memory_space<hbm>>)
      %add3A_596 = arith.constant 1 : i32
      %add3A_597 = arith.addi %scan3A_116, %add3A_596 : i32
      %lt3A_598 = arith.constant 10 : i32
      %lt3A_599 = arith.cmpi slt, %add3A_597, %lt3A_598 : i32
      %convert_element_type3A_600 = arith.extui %lt3A_599 : i1 to i32
      %cond3A_601 = arith.constant 0 : i32
      %cond3A_602 = arith.cmpi ne, %convert_element_type3A_600, %cond3A_601 : i32
      scf.if %cond3A_602 {
        %add3A_623 = arith.constant 1 : i32
        %add3A_624 = arith.addi %scan3A_116, %add3A_623 : i32
        %mul3A_625 = arith.constant 10 : i32
        %mul3A_626 = arith.muli %add3A_624, %mul3A_625 : i32
        %add3A_627 = arith.constant 8 : i32
        %add3A_628 = arith.addi %mul3A_626, %add3A_627 : i32
        %mul3A_629 = arith.constant 64 : i32
        %mul3A_630 = arith.muli %add3A_628, %mul3A_629 : i32
        %multiple_of3A_631 = tpu.assume_multiple %mul3A_630, 64 : i32
        %dma_start3A_632 = arith.constant 8 : i32
        %dma_start3A_633 = arith.constant 0 : i32
        %dma_start3A_634 = arith.constant 0 : i32
        %dma_start3A_635 = tpu.memref_slice %arg6[%dma_start3A_632, %dma_start3A_633, %dma_start3A_634] : memref<10x64x128xf32, #tpu.memory_space<vmem>> -> memref<1x64x128xf32, #tpu.memory_space<vmem>>
        %dma_start3A_636 = tpu.memref_squeeze %dma_start3A_635 : memref<1x64x128xf32, #tpu.memory_space<vmem>> -> memref<64x128xf32, #tpu.memory_space<vmem>>
        %dma_start3A_637 = tpu.memref_slice %arg5[%multiple_of3A_631] : memref<6400xi32, #tpu.memory_space<vmem>> -> memref<64xi32, #tpu.memory_space<vmem>>
        %dma_start3A_638 = arith.constant 0 : i32
        %dma_start3A_639 = arith.constant 0 : i32
        %dma_start3A_640 = tpu.memref_slice %arg3[%dma_start3A_638, %dma_start3A_639] : memref<100000x128xf32, #tpu.memory_space<hbm>> -> memref<100000x128xf32, #tpu.memory_space<hbm>>
        tpu.enqueue_indirect_dma source(%dma_start3A_640 : memref<100000x128xf32, #tpu.memory_space<hbm>>) target(%dma_start3A_636 : memref<64x128xf32, #tpu.memory_space<vmem>>) offsets(%dma_start3A_637 : memref<64xi32, #tpu.memory_space<vmem>>) semaphore(%arg15 : memref<!tpu.dma_semaphore, #tpu.memory_space<semaphore_mem>>)
      } else {
      }
      %dma_wait3A_603 = arith.constant 9 : i32
      %dma_wait3A_604 = arith.constant 0 : i32
      %dma_wait3A_605 = arith.constant 0 : i32
      %dma_wait3A_606 = tpu.memref_slice %arg6[%dma_wait3A_603, %dma_wait3A_604, %dma_wait3A_605] : memref<10x64x128xf32, #tpu.memory_space<vmem>> -> memref<1x64x128xf32, #tpu.memory_space<vmem>>
      %dma_wait3A_607 = tpu.memref_squeeze %dma_wait3A_606 : memref<1x64x128xf32, #tpu.memory_space<vmem>> -> memref<64x128xf32, #tpu.memory_space<vmem>>
      %dma_wait3A_608 = arith.constant 0 : i32
      %dma_wait3A_609 = tpu.memref_slice %arg4[%mul3A_2, %dma_wait3A_608] : memref<204800x128xf32, #tpu.memory_space<hbm>> -> memref<64x128xf32, #tpu.memory_space<hbm>>
      %dma_wait3A_610 = arith.constant 0 : i32
      %dma_wait3A_611 = tpu.memref_slice %arg4[%mul3A_2, %dma_wait3A_610] : memref<204800x128xf32, #tpu.memory_space<hbm>> -> memref<64x128xf32, #tpu.memory_space<hbm>>
      %dma_wait3A_612 = arith.constant 0 : i32
      %dma_wait3A_613 = arith.constant 0 : i32
      %dma_wait3A_614 = tpu.memref_slice %arg6[%dma_wait3A_603, %dma_wait3A_612, %dma_wait3A_613] : memref<10x64x128xf32, #tpu.memory_space<vmem>> -> memref<1x64x128xf32, #tpu.memory_space<vmem>>
      %dma_wait3A_615 = tpu.memref_squeeze %dma_wait3A_614 : memref<1x64x128xf32, #tpu.memory_space<vmem>> -> memref<64x128xf32, #tpu.memory_space<vmem>>
      tpu.wait_dma2 semaphore(%arg26 : memref<!tpu.dma_semaphore, #tpu.memory_space<semaphore_mem>>) src(%dma_wait3A_615 : memref<64x128xf32, #tpu.memory_space<vmem>>) dst(%dma_wait3A_611 : memref<64x128xf32, #tpu.memory_space<hbm>>)
      %add3A_616 = arith.constant 1 : i32
      %add3A_617 = arith.addi %scan3A_116, %add3A_616 : i32
      %lt3A_618 = arith.constant 10 : i32
      %lt3A_619 = arith.cmpi slt, %add3A_617, %lt3A_618 : i32
      %convert_element_type3A_620 = arith.extui %lt3A_619 : i1 to i32
      %cond3A_621 = arith.constant 0 : i32
      %cond3A_622 = arith.cmpi ne, %convert_element_type3A_620, %cond3A_621 : i32
      scf.if %cond3A_622 {
        %add3A_623 = arith.constant 1 : i32
        %add3A_624 = arith.addi %scan3A_116, %add3A_623 : i32
        %mul3A_625 = arith.constant 10 : i32
        %mul3A_626 = arith.muli %add3A_624, %mul3A_625 : i32
        %add3A_627 = arith.constant 9 : i32
        %add3A_628 = arith.addi %mul3A_626, %add3A_627 : i32
        %mul3A_629 = arith.constant 64 : i32
        %mul3A_630 = arith.muli %add3A_628, %mul3A_629 : i32
        %multiple_of3A_631 = tpu.assume_multiple %mul3A_630, 64 : i32
        %dma_start3A_632 = arith.constant 9 : i32
        %dma_start3A_633 = arith.constant 0 : i32
        %dma_start3A_634 = arith.constant 0 : i32
        %dma_start3A_635 = tpu.memref_slice %arg6[%dma_start3A_632, %dma_start3A_633, %dma_start3A_634] : memref<10x64x128xf32, #tpu.memory_space<vmem>> -> memref<1x64x128xf32, #tpu.memory_space<vmem>>
        %dma_start3A_636 = tpu.memref_squeeze %dma_start3A_635 : memref<1x64x128xf32, #tpu.memory_space<vmem>> -> memref<64x128xf32, #tpu.memory_space<vmem>>
        %dma_start3A_637 = tpu.memref_slice %arg5[%multiple_of3A_631] : memref<6400xi32, #tpu.memory_space<vmem>> -> memref<64xi32, #tpu.memory_space<vmem>>
        %dma_start3A_638 = arith.constant 0 : i32
        %dma_start3A_639 = arith.constant 0 : i32
        %dma_start3A_640 = tpu.memref_slice %arg3[%dma_start3A_638, %dma_start3A_639] : memref<100000x128xf32, #tpu.memory_space<hbm>> -> memref<100000x128xf32, #tpu.memory_space<hbm>>
        tpu.enqueue_indirect_dma source(%dma_start3A_640 : memref<100000x128xf32, #tpu.memory_space<hbm>>) target(%dma_start3A_636 : memref<64x128xf32, #tpu.memory_space<vmem>>) offsets(%dma_start3A_637 : memref<64xi32, #tpu.memory_space<vmem>>) semaphore(%arg16 : memref<!tpu.dma_semaphore, #tpu.memory_space<semaphore_mem>>)
      } else {
      }
    }
    %scan3A_115 = arith.constant 10 : i32
    return
  }
}

</mosaic_0001>

<sc_bundles>
// kernel: kernel.3.cloned.1.call-start
scs
__scs_entry_jumppad:
0x0: {  	(pc) =	sbr.rel $0x88, $3  }
0x1: {  	(tag) =	ssettag $0x0;
	lr =	simm.s32 $0x1  }
0x2: {  	[smem:$0x3F9F] =	sst lr;
	_ =	strace $0xD0000000  }
0x3: {  	_ = 	snop  }
0x4: {  	_ = 	snop  }
0x5: {  	_ = 	snop  }
0x6: {  	_ = 	snop  }
0x7: {  	_ = 	snop  }
__scs_overlays_trampoline_lowered:
0x8: {  	[smem:$0x3FAE] =	sst s0  }
0x9: {  	[smem:$0x3FAF] =	sst s1  }
0xa: {  	[smem:$0x3FB0] =	sst s2  }
0xb: {  	[smem:$0x3FB1] =	sst s3  }
0xc: {  	[smem:$0x3FB2] =	sst s4  }
0xd: {  	[smem:$0x3FB3] =	sst s5  }
0xe: {  	[smem:$0x3FB4] =	sst s6  }
0xf: {  	[smem:$0x3FB5] =	sst s7  }
0x10: {  	[smem:$0x3FB6] =	sst s8  }
0x11: {  	[smem:$0x3FB7] =	sst s9;
	s0 =	simm.s32 @!p0 $0x0  }
0x12: {  	s1 =	sld [smem:$0x3F9D];
	s0 =	simm.s32 @p0 $0x1  }
0x13: {  	[smem:$0x3FB8] =	sst s0;
	s0 =	simm.s32 @!p1 $0x0  }
0x14: {  	s2 =	sld [smem:$0x3F9C];
	s0 =	simm.s32 @p1 $0x1  }
0x15: {  	[smem:$0x3FB9] =	sst s0;
	s0 =	simm.s32 @!p2 $0x0  }
0x16: {  	s3 =	sld [smem:$0x3FDB];
	s0 =	simm.s32 @p2 $0x1  }
0x17: {  	s4 =	simm.s32 $0x1BF5;
	[smem:$0x3FBB] =	sst s0  }
0x18: {  	s0 =	sld [smem:$0x3F9E];
	_ =	swait.ge [sflag:s4], $0x0  }
0x19: {  	s7 =	sld [smem:$0x3F9F]  }
0x1a: {  	s8 =	sadd.s32 $0xFFFFE003, lr  }
0x1b: {  	s9 =	sadd.s32 $0xFFFFFEF7, lr;
	s5 =	simm.s32 $0xFFFFFFFF;
	p2 =	slt.u32 s8, $0xFFFFF086  }
0x1c: {  	p1 =	slt.u32 s9, $0xF7A;
	s5 =	simm.s32 @!p2 $0x0  }
0x1d: {  	s5 =	simm.s32 @p1 $0x1;
	p0 =	seq.s32 s7, s2  }
0x1e: {  	s7 =	smul.u32 @!p0 $0xF7A, s2;
	p2 =	seq.s32 @!p0 s5, $0x0  }
0x1f: {  	s9 =	smul.u32 $0xF7A, s1;
	s8 =	simm.s32 @!p0 $0x1BF5;
	p2 =	por !p2, p0  }
0x20: {  	[sflag:s8] =	ssyncset.s32 @!p0 $0xFFFFF086;
	s6 =	sadd.s32 @!p0 s3, s7;
	s7 =	simm.s32 @!p0 $0x108  }
0x21: {  	s3 =	sadd.s32 s3, s9;
	s6 =	sadd.s32 @!p0 $0x88, s6;
	s7 =	simm.s32 @p2 $0x1082  }
0x22: {  	[simem:s7], [sflag:s8] =	dma.local @!p0 [hbm:s6], $0xF7A  }
0x23: {  	s9 =	sor.u32 $0xD0000000, s2;
	s6 =	simm.s32 $0x108;
	_ =	swait.ge @!p0 [sflag:s8], $0x0  }
0x24: {  	s3 =	sadd.s32 $0x88, s3;
	s6 =	simm.s32 @!p1 $0x1082;
	[sflag:s4] =	ssyncset.s32 $0xFFFFF086  }
0x25: {  	[simem:s6], [sflag:s4] =	dma.local [hbm:s3], $0xF7A  }
0x26: {  	[smem:$0x3F9F] =	sst s1;
	(tag) =	ssettag s2;
	_ =	strace s9  }
0x27: {  	s1 =	sld [smem:$0x3FAF]  }
0x28: {  	s2 =	sld [smem:$0x3FB0]  }
0x29: {  	s4 =	sld [smem:$0x3FB2]  }
0x2a: {  	p0 =	seq.s32 s5, $0x0;
	s5 =	sld [smem:$0x3FB3]  }
0x2b: {  	s6 =	sld [smem:$0x3FB4]  }
0x2c: {  	s7 =	sld [smem:$0x3FB5]  }
0x2d: {  	s3 =	simm.s32 $0x108;
	s8 =	sld [smem:$0x3FB6]  }
0x2e: {  	s3 =	simm.s32 @!p0 $0x1082;
	s9 =	sld [smem:$0x3FB7]  }
0x2f: {  	lr =	sadd.s32 s0, s3;
	s0 =	sld [smem:$0x3FAE]  }
0x30: {  	s3 =	sld [smem:$0x3FB1]  }
0x31: {  	[smem:$0x3FBA] =	sst s10  }
0x32: {  	s10 =	sld [smem:$0x3FB8];
	_ =	sdelay $0x3  }
0x33: {  	p0 =	seq.s32 s10, $0x1;
	s10 =	sld [smem:$0x3FBA];
	_ =	sdelay $0x3  }
0x34: {  	[smem:$0x3FBA] =	sst s10  }
0x35: {  	s10 =	sld [smem:$0x3FB9];
	_ =	sdelay $0x3  }
0x36: {  	p1 =	seq.s32 s10, $0x1;
	s10 =	sld [smem:$0x3FBA];
	_ =	sdelay $0x3  }
0x37: {  	[smem:$0x3FBA] =	sst s10  }
0x38: {  	s10 =	sld [smem:$0x3FBB]  }
0x39: {  	_ = 	snop;
	(pc) =	sbr.ind lr, $3  }
0x3a: {  	_ = 	snop  }
0x3b: {  	_ = 	snop  }
0x3c: {  	p2 =	seq.s32 s10, $0x1;
	s10 =	sld [smem:$0x3FBA]  }
0x3d: {  	_ =	shalt  }
0x3e: {  	_ =	shalt  }
0x3f: {  	_ =	shalt  }
0x40: {  	_ =	shalt  }
0x41: {  	_ =	shalt  }
0x42: {  	_ =	shalt  }
0x43: {  	_ =	shalt  }
0x44: {  	_ =	shalt  }
0x45: {  	_ =	shalt  }
0x46: {  	_ =	shalt  }
0x47: {  	_ =	shalt  }
0x48: {  	_ =	shalt  }
0x49: {  	_ =	shalt  }
0x4a: {  	_ =	shalt  }
0x4b: {  	_ =	shalt  }
0x4c: {  	_ =	shalt  }
0x4d: {  	_ =	shalt  }
0x4e: {  	_ =	shalt  }
0x4f: {  	_ =	shalt  }
0x50: {  	_ =	shalt  }
0x51: {  	_ =	shalt  }
0x52: {  	_ =	shalt  }
0x53: {  	_ =	shalt  }
0x54: {  	_ =	shalt  }
0x55: {  	_ =	shalt  }
0x56: {  	_ =	shalt  }
0x57: {  	_ =	shalt  }
0x58: {  	_ =	shalt  }
0x59: {  	_ =	shalt  }
0x5a: {  	_ =	shalt  }
0x5b: {  	_ =	shalt  }
0x5c: {  	_ =	shalt  }
0x5d: {  	_ =	shalt  }
0x5e: {  	_ =	shalt  }
0x5f: {  	_ =	shalt  }
0x60: {  	_ =	shalt  }
0x61: {  	_ =	shalt  }
0x62: {  	_ =	shalt  }
0x63: {  	_ =	shalt  }
0x64: {  	_ =	shalt  }
0x65: {  	_ =	shalt  }
0x66: {  	_ =	shalt  }
0x67: {  	_ =	shalt  }
0x68: {  	_ =	shalt  }
0x69: {  	_ =	shalt  }
0x6a: {  	_ =	shalt  }
0x6b: {  	_ =	shalt  }
0x6c: {  	_ =	shalt  }
0x6d: {  	_ =	shalt  }
0x6e: {  	_ =	shalt  }
0x6f: {  	_ =	shalt  }
0x70: {  	_ =	shalt  }
0x71: {  	_ =	shalt  }
0x72: {  	_ =	shalt  }
0x73: {  	_ =	shalt  }
0x74: {  	_ =	shalt  }
0x75: {  	_ =	shalt  }
0x76: {  	_ =	shalt  }
0x77: {  	_ =	shalt  }
0x78: {  	_ =	shalt  }
0x79: {  	_ =	shalt  }
0x7a: {  	_ =	shalt  }
0x7b: {  	_ =	shalt  }
0x7c: {  	_ =	shalt  }
0x7d: {  	_ =	shalt  }
0x7e: {  	_ =	shalt  }
0x7f: {  	_ =	shalt  }
0x80: {  	_ =	shalt  }
0x81: {  	_ =	shalt  }
0x82: {  	_ =	shalt  }
0x83: {  	_ =	shalt  }
0x84: {  	_ =	shalt  }
0x85: {  	_ =	shalt  }
0x86: {  	_ =	shalt  }
0x87: {  	_ =	shalt  }
.Lfunc_end0:
.L_simem_size_0:
called_computation_lowered:
.L_overlay_start_0:
0x88: {  	s2 =	sld [smem:$0x3FD9]  }
0x89: {  	s3 =	sld [smem:$0x3FFE];
	_ =	sdelay $0x1  }
0x8a: {  	s1 =	srdreg.scid  }
0x8b: {  	s0 =	sand.u32 $0x1, s1  }
0x8c: {  	s17 =	sshll.u32 s0, $0xA;
	s2 =	sadd.s32 s3, s2  }
0x8d: {  	s2 =	sadd.s32 s2, s17  }
0x8e: {  	[smem:$0x3FC6] =	sst s2  }
0x8f: {  	_ = 	snop  }
0x90: {  	s2 =	sld [smem:$0x3FC8]  }
0x91: {  	s18 =	sld [smem:$0x3FD0];
	(tm) =	ssettm $0x1  }
0x92: {  	s4 =	sld [smem:$0x3FFB];
	_ =	sdelay $0x3  }
0x93: {  	_ =	strace s4  }
0x94: {  	s4 =	sld [smem:$0x3FFC];
	_ =	sdelay $0x3  }
0x95: {  	_ =	strace s4  }
0x96: {  	s4 =	sld [smem:$0x3FFD];
	_ =	sdelay $0x3  }
0x97: {  	_ =	strace s4  }
0x98: {  	_ =	strace $0x8FFFFFFF  }
0x99: {  	s19 =	sld [smem:$0x3FDB];
	_ =	sdelay $0x1  }
0x9a: {  	s5 =	simm.s32 $_scs_section_size  }
0x9b: {  	s6 =	simm.s32 $_size__tile_overlayer_lowered;
	s7 =	simm.s32 $_tile_overlayer_lowered  }
0x9c: {  	s22 =	simm.s32 $0x1BFF;
	s21 =	sshll.u32 s7, $0x1;
	s4 =	sadd.s32 s5, s19  }
0x9d: {  	s8 =	simm.s32 $0x0;
	s20 =	sshll.u32 s6, $0x1;
	s6 =	sadd.s32 s21, s4  }
0x9e: {  	[timem:s8], [sflag:s22] =	dma.local [hbm:s6], s20  }
0x9f: {  	_ =	swait.ge [sflag:s22], s20  }
0xa0: {  	s5 =	ssub.s32 $0x0, s20;
	[sflag:s22] =	ssyncset.done $0x0  }
0xa1: {  	[sflag:s22] =	ssyncadd.s32 s5;
	_ =	sdelay $0x1  }
0xa2: {  	s23 =	simm.s32 $0x1B8B  }
0xa3: {  	_ =	swait.ge [sflag:s23], $0x1  }
0xa4: {  	[sflag:s23] =	ssyncset.done $0x0  }
0xa5: {  	s25 =	simm.s32 $0x1B8E;
	s24 =	sld [smem:$0x3FFE];
	[sflag:s23] =	ssyncadd.s32 $0xFFFFFFFF  }
0xa6: {  	s26 =	simm.s32 $execute0_lowered;
	[smem:$0x3FD2] =	sst s25  }
0xa7: {  	s6 =	sshll.u32 s26, $0x1;
	_ =	strace $0x80000046;
	[dreg:$0x1] =	wrdreg $0xFFFFFFFF  }
0xa8: {  	s28 =	simm.s32 $_size_execute0_lowered;
	s4 =	sadd.s32 s4, s6;
	[dreg:$0x0] =	wrdreg $0x0  }
0xa9: {  	s6 =	sshll.u32 s28, $0x1;
	[dreg:$0x2] =	wrdreg s4  }
0xaa: {  	[dreg:$0x3] =	wrdreg s6  }
0xab: {  	[dreg:$0x4] =	wrdreg $0xC0  }
0xac: {  	_ =	task [dreg:s8], $0x5FFFF  }
0xad: {  	[dreg:$0x1] =	wrdreg $0xFFFFFFFF  }
0xae: {  	[dreg:$0x0] =	wrdreg $0x60  }
0xaf: {  	[dreg:$0x2] =	wrdreg s24  }
0xb0: {  	[dreg:$0x3] =	wrdreg s2  }
0xb1: {  	[dreg:$0x4] =	wrdreg s18  }
0xb2: {  	[dreg:$0x5] =	wrdreg $0x9  }
0xb3: {  	_ =	task.clear_ibuf [dreg:s8], $0x6FFFF;
	_ =	strace $0x90000046  }
0xb4: {  	s29 =	simm.s32 $0x9;
	_ =	strace $0x80000048  }
0xb5: {  	_ =	swait.ge [sflag:s29], $0x1  }
0xb6: {  	[sflag:s29] =	ssyncadd.s32 $0xFFFFFFFF  }
0xb7: {  	_ =	strace $0x90000048  }
0xb8: {  	_ =	sfence  }
0xb9: {  	s30 =	sld [smem:$0x0];
	_ =	sdelay $0x2  }
0xba: {  	s31 =	sshll.u32 s1, $0xD;
	s1 =	sshrl.u32 s1, $0x2  }
0xbb: {  	s3 =	sand.u32 $0x4000, s31;
	s1 =	sadd.s32 s1, s30  }
0xbc: {  	s0 =	sor.u32 s3, s0;
	s1 =	sshll.u32 s1, $0x11  }
0xbd: {  	s0 =	sor.u32 s1, s0  }
0xbe: {  	s0 =	sadd.s32 $0x8F2B, s0  }
0xbf: {  	[sflag:s0] =	ssyncadd.remote.s32 $0x1  }
0xc0: {  	_ =	sfence.sel $0xFFFF  }
0xc1: {  	[dreg:$0x0] =	wrdreg $0xFFFFFFFF;
	(pc) =	sbr.abs _section_cstart, $3  }
0xc2: {  	[dreg:$0x1] =	wrdreg $0xFFFFFFFF  }
0xc3: {  	_ =	task.clear_ibuf [dreg:s8], $0x2FFFF;
	_ =	strace $0x9FFFFFFF  }
0xc4: {  	(tm) =	ssettm $0x7FFFFFFF  }
0xc5: {  	_ =	shalt  }
tec
execute0_lowered:
.L_overlay_start_1:
0x0: {  	(tag) =	ssettag $0x1  }
0x1: {  	s0 =	rddreg [dreg:$0x0]  }
0x2: {  	s2 =	rddreg [dreg:$0x1];
	s1 =	srdreg.scid  }
0x3: {  	s7 =	stileid.u32;
	s4 =	rddreg [dreg:$0x2]  }
0x4: {  	s3 =	simm.s32 $0x0;
	s18 =	simm.s32 $0x1900;
	s20 =	simm.s32 $0x3900  }
0x5: {  	s14 =	simm.s32 $0x5900;
	s16 =	simm.s32 $0x7900;
	s22 =	simm.s32 $0x9900  }
0x6: {  	s28 =	simm.s32 $0xF900;
	s29 =	simm.s32 $0x11900;
	s11 =	simm.s32 $0x7  }
0x7: {  	s13 =	simm.s32 $0x8;
	s15 =	simm.s32 $0x9;
	s17 =	simm.s32 $0xA  }
0x8: {  	s19 =	simm.s32 $0xB;
	s21 =	simm.s32 $0xC;
	s23 =	simm.s32 $0xD  }
0x9: {  	s9 =	simm.s32 $0x13;
	s10 =	simm.s32 $0x14;
	s30 =	simm.s32 $0x0  }
0xa: {  	s31 =	simm.s32 $0x11900;
	s1 =	sand.u32 $0x1, s1;
	s5 =	sshll.u32 s7, $0x1  }
0xb: {  	[smem:$0x7FF] =	sst s3;
	s7 =	smul.u32 $0x32000, s7;
	s5 =	sor.u32 s1, s5  }
0xc: {  	_ =	strace $0x80000047;
	s6 =	ssub.s32 $0x2, s1;
	s1 =	smul.u32 $0x19000, s1  }
0xd: {  	s5 =	smul.u32 $0x1900, s5;
	s8 =	sshrl.u32 s6, $0x1;
	s4 =	sadd.s32 s7, s4  }
0xe: {  	s7 =	simm.s32 $0x12;
	s24 =	ssub.s32 s6, s8;
	s26 =	sadd.s32 s1, s4  }
0xf: {  	s8 =	simm.s32 $0x40;
	s1 =	simm.s32 $0x13900;
	s4 =	simm.s32 $0xF  }
.Ltmp0:
0x10: {  	s6 =	simm.s32 $0x11;
	s5 =	sshrl.u32 s5, $0x3;
	(pc) =	sbr.rel .LBB2_1-.Ltmp0, $4  }
0x11: {  	s25 =	smax.u32 s24, $0x1;
	s24 =	simm.s32 $0xB900;
	s0 =	sadd.s32 s5, s0  }
0x12: {  	[dreg:$0x5] =	wrdreg s25;
	s25 =	simm.s32 $0xE;
	s0 =	sadd.s32 $0x400, s0  }
0x13: {  	s5 =	simm.s32 $0x10;
	[dreg:$0x4] =	wrdreg s0;
	s0 =	sadd.s32 $0x2400, s26  }
0x14: {  	s26 =	simm.s32 $0xD900;
	[dreg:$0x6] =	wrdreg s0;
	s0 =	simm.s32 $0x6  }
.LBB2_3:
0x15: {  	_ =	swait.ge [sflag:s21], $0x2000  }
0x16: {  	[sflag:s21] =	ssyncset.done $0x0  }
0x17: {  	[sflag:s21] =	ssyncadd.s32 $0xFFFFE000  }
0x18: {  	_ =	swait.ge [sflag:s23], $0x2000  }
0x19: {  	[sflag:s23] =	ssyncset.done $0x0  }
0x1a: {  	[sflag:s23] =	ssyncadd.s32 $0xFFFFE000  }
0x1b: {  	_ =	swait.ge [sflag:s25], $0x2000  }
0x1c: {  	[sflag:s25] =	ssyncset.done $0x0  }
0x1d: {  	[sflag:s25] =	ssyncadd.s32 $0xFFFFE000  }
0x1e: {  	_ =	swait.ge [sflag:s4], $0x2000  }
0x1f: {  	[sflag:s4] =	ssyncset.done $0x0  }
0x20: {  	[sflag:s4] =	ssyncadd.s32 $0xFFFFE000  }
0x21: {  	_ =	swait.ge [sflag:s5], $0x2000  }
0x22: {  	[sflag:s5] =	ssyncset.done $0x0  }
0x23: {  	[sflag:s5] =	ssyncadd.s32 $0xFFFFE000  }
0x24: {  	_ =	swait.ge [sflag:s6], $0x2000  }
0x25: {  	[sflag:s6] =	ssyncset.done $0x0  }
0x26: {  	[sflag:s6] =	ssyncadd.s32 $0xFFFFE000  }
0x27: {  	_ =	swait.ge [sflag:s7], $0x2000  }
0x28: {  	[sflag:s7] =	ssyncset.done $0x0  }
0x29: {  	[sflag:s7] =	ssyncadd.s32 $0xFFFFE000  }
0x2a: {  	_ =	swait.ge [sflag:s9], $0x2000  }
0x2b: {  	[sflag:s9] =	ssyncset.done $0x0  }
0x2c: {  	[sflag:s9] =	ssyncadd.s32 $0xFFFFE000  }
0x2d: {  	_ =	swait.ge [sflag:s10], $0x2000  }
0x2e: {  	[sflag:s10] =	ssyncset.done $0x0  }
0x2f: {  	[sflag:s10] =	ssyncadd.s32 $0xFFFFE000  }
.LBB2_5:
0x30: {  	s30 =	rddreg [dreg:$0x7]  }
0x31: {  	s12 =	rddreg [dreg:$0x5];
	s30 =	sadd.s32 $0x1, s30  }
0x32: {  	p0 =	sne.s32 s30, s12  }
.Ltmp1:
0x33: {  	_ = 	snop;
	(pc) =	sbr.rel @!p0 .LBB2_6-.Ltmp1, $4  }
0x34: {  	_ = 	snop  }
0x35: {  	s14 =	simm.s32 $0x5900;
	s16 =	simm.s32 $0x7900  }
0x36: {  	s22 =	simm.s32 $0x9900;
	s24 =	simm.s32 $0xB900;
	s26 =	simm.s32 $0xD900  }
0x37: {  	s28 =	simm.s32 $0xF900;
	s29 =	simm.s32 $0x11900;
	s1 =	simm.s32 $0x13900  }
.LBB2_1:
0x38: {  	s12 =	rddreg [dreg:$0x4]  }
0x39: {  	[tilespmem:s3], [sflag:$0x15] =	stream.linear.gather [hbm4b:s12+s3], $0x1900, $0x38;
	[tilespmem:$0x15900] =	vst v63  }
0x3a: {  	[dreg:$0x7] =	wrdreg s30;
	s12 =	simm.s32 $0x15  }
0x3b: {  	_ =	swait.ge [sflag:s12], $0x1900  }
0x3c: {  	[sflag:s12] =	ssyncset.done $0x0  }
0x3d: {  	[sflag:s12] =	ssyncadd.s32 $0xFFFFE700  }
0x3e: {  	[tilespmem:s18], [sflag:$0x1] =	stream.indirect.gather [hbm4b:s2+s8], $0x80, s3, s8, $0xb8;
	[tilespmem:$0x15900] =	vst v63  }
0x3f: {  	_ = 	snop  }
0x40: {  	[tilespmem:s20], [sflag:$0x2] =	stream.indirect.gather [hbm4b:s2+s8], $0x80, s8, s8, $0xb8;
	[tilespmem:$0x15900] =	vst v63  }
0x41: {  	s12 =	simm.s32 $0x80  }
0x42: {  	[tilespmem:s14], [sflag:$0x3] =	stream.indirect.gather [hbm4b:s2+s8], $0x80, s12, s8, $0xb8;
	[tilespmem:$0x15900] =	vst v63  }
0x43: {  	s14 =	simm.s32 $0xC0  }
0x44: {  	[tilespmem:s16], [sflag:$0x4] =	stream.indirect.gather [hbm4b:s2+s8], $0x80, s14, s8, $0xb8;
	[tilespmem:$0x15900] =	vst v63  }
0x45: {  	s16 =	simm.s32 $0x100  }
0x46: {  	[tilespmem:s22], [sflag:$0x5] =	stream.indirect.gather [hbm4b:s2+s8], $0x80, s16, s8, $0xb8;
	[tilespmem:$0x15900] =	vst v63  }
0x47: {  	s14 =	simm.s32 $0x140  }
0x48: {  	[tilespmem:s24], [sflag:$0x6] =	stream.indirect.gather [hbm4b:s2+s8], $0x80, s14, s8, $0xb8;
	[tilespmem:$0x15900] =	vst v63  }
0x49: {  	s16 =	simm.s32 $0x180  }
0x4a: {  	[tilespmem:s26], [sflag:$0x7] =	stream.indirect.gather [hbm4b:s2+s8], $0x80, s16, s8, $0xb8;
	[tilespmem:$0x15900] =	vst v63  }
0x4b: {  	s30 =	simm.s32 $0xF900;
	s12 =	rddreg [dreg:$0x6];
	s22 =	simm.s32 $0x1C0  }
0x4c: {  	[tilespmem:s28], [sflag:$0x8] =	stream.indirect.gather [hbm4b:s2+s8], $0x80, s22, s8, $0xb8;
	[tilespmem:$0x15900] =	vst v63  }
0x4d: {  	s24 =	simm.s32 $0x200;
	s14 =	simm.s32 $0x0;
	s26 =	simm.s32 $0x240  }
0x4e: {  	[tilespmem:s29], [sflag:$0x9] =	stream.indirect.gather [hbm4b:s2+s8], $0x80, s24, s8, $0xb8;
	[tilespmem:$0x15900] =	vst v63  }
0x4f: {  	s22 =	simm.s32 $0x5900;
	s28 =	simm.s32 $0xB900;
	s29 =	simm.s32 $0xD900  }
0x50: {  	[tilespmem:s1], [sflag:$0xA] =	stream.indirect.gather [hbm4b:s2+s8], $0x80, s26, s8, $0xb8;
	[tilespmem:$0x15900] =	vst v63  }
0x51: {  	s24 =	simm.s32 $0x7900;
	s26 =	simm.s32 $0x9900;
	s1 =	simm.s32 $0x13900  }
.LBB2_2:
0x52: {  	s16 =	simm.s32 $0x1  }
0x53: {  	_ =	swait.ge [sflag:s16], $0x2000  }
0x54: {  	[sflag:s16] =	ssyncset.done $0x0  }
0x55: {  	[sflag:s16] =	ssyncadd.s32 $0xFFFFE000;
	s16 =	sadd.s32 $0xFFFFDC00, s12  }
0x56: {  	[hbm4b:s16+s3] =	stream.linear.scatter [tilespmem:s18], [sflag:$0xB], $0x2000, $0x38;
	[tilespmem:$0x15900] =	vst v63  }
0x57: {  	s16 =	simm.s32 $0x2  }
0x58: {  	_ =	swait.ge [sflag:s16], $0x2000  }
0x59: {  	[sflag:s16] =	ssyncset.done $0x0  }
0x5a: {  	[sflag:s16] =	ssyncadd.s32 $0xFFFFE000;
	s16 =	sadd.s32 $0xFFFFE000, s12  }
0x5b: {  	[hbm4b:s16+s3] =	stream.linear.scatter [tilespmem:s20], [sflag:$0xC], $0x2000, $0x38;
	[tilespmem:$0x15900] =	vst v63  }
0x5c: {  	s16 =	simm.s32 $0x3  }
0x5d: {  	_ =	swait.ge [sflag:s16], $0x2000  }
0x5e: {  	[sflag:s16] =	ssyncset.done $0x0  }
0x5f: {  	[sflag:s16] =	ssyncadd.s32 $0xFFFFE000;
	s16 =	sadd.s32 $0xFFFFE400, s12  }
0x60: {  	[hbm4b:s16+s3] =	stream.linear.scatter [tilespmem:s22], [sflag:$0xD], $0x2000, $0x38;
	[tilespmem:$0x15900] =	vst v63  }
0x61: {  	s16 =	simm.s32 $0x4  }
0x62: {  	_ =	swait.ge [sflag:s16], $0x2000  }
0x63: {  	[sflag:s16] =	ssyncset.done $0x0  }
0x64: {  	[sflag:s16] =	ssyncadd.s32 $0xFFFFE000;
	s16 =	sadd.s32 $0xFFFFE800, s12  }
0x65: {  	[hbm4b:s16+s3] =	stream.linear.scatter [tilespmem:s24], [sflag:$0xE], $0x2000, $0x38;
	[tilespmem:$0x15900] =	vst v63  }
0x66: {  	s16 =	simm.s32 $0x5  }
0x67: {  	_ =	swait.ge [sflag:s16], $0x2000  }
0x68: {  	[sflag:s16] =	ssyncset.done $0x0  }
0x69: {  	[sflag:s16] =	ssyncadd.s32 $0xFFFFE000;
	s16 =	sadd.s32 $0xFFFFEC00, s12  }
0x6a: {  	[hbm4b:s16+s3] =	stream.linear.scatter [tilespmem:s26], [sflag:$0xF], $0x2000, $0x38;
	[tilespmem:$0x15900] =	vst v63  }
0x6b: {  	_ =	swait.ge [sflag:s0], $0x2000  }
0x6c: {  	[sflag:s0] =	ssyncset.done $0x0  }
0x6d: {  	s16 =	sadd.s32 $0xFFFFF000, s12;
	[sflag:s0] =	ssyncadd.s32 $0xFFFFE000  }
0x6e: {  	[hbm4b:s16+s3] =	stream.linear.scatter [tilespmem:s28], [sflag:$0x10], $0x2000, $0x38;
	[tilespmem:$0x15900] =	vst v63  }
0x6f: {  	_ =	swait.ge [sflag:s11], $0x2000  }
0x70: {  	[sflag:s11] =	ssyncset.done $0x0  }
0x71: {  	s16 =	sadd.s32 $0xFFFFF400, s12;
	[sflag:s11] =	ssyncadd.s32 $0xFFFFE000  }
0x72: {  	[hbm4b:s16+s3] =	stream.linear.scatter [tilespmem:s29], [sflag:$0x11], $0x2000, $0x38;
	[tilespmem:$0x15900] =	vst v63  }
0x73: {  	_ =	swait.ge [sflag:s13], $0x2000  }
0x74: {  	[sflag:s13] =	ssyncset.done $0x0  }
0x75: {  	s16 =	sadd.s32 $0xFFFFF800, s12;
	[sflag:s13] =	ssyncadd.s32 $0xFFFFE000  }
0x76: {  	[hbm4b:s16+s3] =	stream.linear.scatter [tilespmem:s30], [sflag:$0x12], $0x2000, $0x38;
	[tilespmem:$0x15900] =	vst v63  }
0x77: {  	_ =	swait.ge [sflag:s15], $0x2000  }
0x78: {  	[sflag:s15] =	ssyncset.done $0x0  }
0x79: {  	s16 =	sadd.s32 $0xFFFFFC00, s12;
	[sflag:s15] =	ssyncadd.s32 $0xFFFFE000  }
0x7a: {  	[hbm4b:s16+s3] =	stream.linear.scatter [tilespmem:s31], [sflag:$0x13], $0x2000, $0x38;
	[tilespmem:$0x15900] =	vst v63  }
0x7b: {  	_ =	swait.ge [sflag:s17], $0x2000  }
0x7c: {  	p0 =	sne.s32 s14, $0x5A00;
	[sflag:s17] =	ssyncset.done $0x0  }
.Ltmp2:
0x7d: {  	[sflag:s17] =	ssyncadd.s32 $0xFFFFE000;
	(pc) =	sbr.rel @!p0 .LBB2_3-.Ltmp2, $4  }
0x7e: {  	[hbm4b:s12+s3] =	stream.linear.scatter [tilespmem:s1], [sflag:$0x14], $0x2000, $0x38;
	[tilespmem:$0x15900] =	vst v63  }
0x7f: {  	_ =	swait.ge [sflag:s19], $0x2000  }
0x80: {  	[sflag:s19] =	ssyncset.done $0x0  }
0x81: {  	[sflag:s19] =	ssyncadd.s32 $0xFFFFE000  }
0x82: {  	s16 =	sshra.s32 s14, $0x2  }
0x83: {  	s20 =	simm.s32 $0x1900;
	s18 =	sadd.s32 $0x280, s16  }
0x84: {  	[tilespmem:s20], [sflag:$0x1] =	stream.indirect.gather [hbm4b:s2+s8], $0x80, s18, s8, $0xb8;
	[tilespmem:$0x15900] =	vst v63  }
0x85: {  	_ =	swait.ge [sflag:s21], $0x2000  }
0x86: {  	[sflag:s21] =	ssyncset.done $0x0  }
0x87: {  	s20 =	simm.s32 $0x3900;
	s18 =	sadd.s32 $0x2C0, s16;
	[sflag:s21] =	ssyncadd.s32 $0xFFFFE000  }
0x88: {  	[tilespmem:s20], [sflag:$0x2] =	stream.indirect.gather [hbm4b:s2+s8], $0x80, s18, s8, $0xb8;
	[tilespmem:$0x15900] =	vst v63  }
0x89: {  	_ =	swait.ge [sflag:s23], $0x2000  }
0x8a: {  	[sflag:s23] =	ssyncset.done $0x0  }
0x8b: {  	s18 =	sadd.s32 $0x300, s16;
	[sflag:s23] =	ssyncadd.s32 $0xFFFFE000  }
0x8c: {  	[tilespmem:s22], [sflag:$0x3] =	stream.indirect.gather [hbm4b:s2+s8], $0x80, s18, s8, $0xb8;
	[tilespmem:$0x15900] =	vst v63  }
0x8d: {  	_ =	swait.ge [sflag:s25], $0x2000  }
0x8e: {  	[sflag:s25] =	ssyncset.done $0x0  }
0x8f: {  	s18 =	sadd.s32 $0x340, s16;
	[sflag:s25] =	ssyncadd.s32 $0xFFFFE000  }
0x90: {  	[tilespmem:s24], [sflag:$0x4] =	stream.indirect.gather [hbm4b:s2+s8], $0x80, s18, s8, $0xb8;
	[tilespmem:$0x15900] =	vst v63  }
0x91: {  	_ =	swait.ge [sflag:s4], $0x2000  }
0x92: {  	[sflag:s4] =	ssyncset.done $0x0  }
0x93: {  	s18 =	sadd.s32 $0x380, s16;
	[sflag:s4] =	ssyncadd.s32 $0xFFFFE000  }
0x94: {  	[tilespmem:s26], [sflag:$0x5] =	stream.indirect.gather [hbm4b:s2+s8], $0x80, s18, s8, $0xb8;
	[tilespmem:$0x15900] =	vst v63  }
0x95: {  	_ =	swait.ge [sflag:s5], $0x2000  }
0x96: {  	[sflag:s5] =	ssyncset.done $0x0  }
0x97: {  	s18 =	sadd.s32 $0x3C0, s16;
	[sflag:s5] =	ssyncadd.s32 $0xFFFFE000  }
0x98: {  	[tilespmem:s28], [sflag:$0x6] =	stream.indirect.gather [hbm4b:s2+s8], $0x80, s18, s8, $0xb8;
	[tilespmem:$0x15900] =	vst v63  }
0x99: {  	_ =	swait.ge [sflag:s6], $0x2000  }
0x9a: {  	[sflag:s6] =	ssyncset.done $0x0  }
0x9b: {  	s18 =	sadd.s32 $0x400, s16;
	[sflag:s6] =	ssyncadd.s32 $0xFFFFE000  }
0x9c: {  	[tilespmem:s29], [sflag:$0x7] =	stream.indirect.gather [hbm4b:s2+s8], $0x80, s18, s8, $0xb8;
	[tilespmem:$0x15900] =	vst v63  }
0x9d: {  	_ =	swait.ge [sflag:s7], $0x2000  }
0x9e: {  	[sflag:s7] =	ssyncset.done $0x0  }
0x9f: {  	s18 =	sadd.s32 $0x440, s16;
	[sflag:s7] =	ssyncadd.s32 $0xFFFFE000  }
0xa0: {  	[tilespmem:s30], [sflag:$0x8] =	stream.indirect.gather [hbm4b:s2+s8], $0x80, s18, s8, $0xb8;
	[tilespmem:$0x15900] =	vst v63  }
0xa1: {  	_ =	swait.ge [sflag:s9], $0x2000  }
0xa2: {  	s14 =	sadd.s32 $0xA00, s14;
	[sflag:s9] =	ssyncset.done $0x0  }
0xa3: {  	p0 =	sne.s32 s14, $0x6400;
	s18 =	sadd.s32 $0x480, s16;
	[sflag:s9] =	ssyncadd.s32 $0xFFFFE000  }
0xa4: {  	[tilespmem:s31], [sflag:$0x9] =	stream.indirect.gather [hbm4b:s2+s8], $0x80, s18, s8, $0xb8;
	[tilespmem:$0x15900] =	vst v63  }
.Ltmp3:
0xa5: {  	_ = 	snop;
	(pc) =	sbr.rel @p0 .LBB2_2-.Ltmp3, $4  }
.Ltmp4:
0xa6: {  	_ =	swait.ge [sflag:s10], $0x2000;
	(pc) =	sbr.rel @!p0 .LBB2_5-.Ltmp4, $4  }
0xa7: {  	s12 =	sadd.s32 $0x2800, s12;
	[sflag:s10] =	ssyncset.done $0x0  }
0xa8: {  	s16 =	sadd.s32 $0x4C0, s16;
	s18 =	simm.s32 $0x1900;
	[sflag:s10] =	ssyncadd.s32 $0xFFFFE000  }
0xa9: {  	[tilespmem:s1], [sflag:$0xA] =	stream.indirect.gather [hbm4b:s2+s8], $0x80, s16, s8, $0xb8;
	[tilespmem:$0x15900] =	vst v63  }
0xaa: {  	_ = 	snop  }
.LBB2_6:
0xab: {  	_ =	sfence.sel $0x180000  }
0xac: {  	[bflag:$0x0] =	sbarrier.arrive $0xFFFF  }
0xad: {  	_ =	strace $0x90000047  }
0xae: {  	s0 =	stileid.u32;
	[bflag:$0x2] =	sbarrier.arrive $0xFFFF  }
0xaf: {  	p0 =	sne.s32 s0, $0x0;
	s0 =	rddreg [dreg:$0x3]  }
0xb0: {  	s0 =	sadd.s32 @!p0 $0x100000, s0  }
0xb1: {  	[sflag:s0] =	ssyncadd.tile.s32 @!p0 $0x1;
	_ =	shalt  }
.Lfunc_end2:
_tile_overlayer_lowered:
.L_overlay_start_2:
0xb2: {  	(tag) =	ssettag $0x2  }
0xb3: {  	s0 =	rddreg [dreg:$0x0];
	s2 =	stileid.u32  }
0xb4: {  	s1 =	rddreg [dreg:$0x1];
	p0 =	sne.s32 s2, $0x0  }
0xb5: {  	s3 =	rddreg [dreg:$0x2];
	[bflag:$0x3] =	sbarrier.arrive $0xFFFF;
	s2 =	simm.s32 @!p0 $0x1C15  }
0xb6: {  	[timem:s3], [sflag:s2] =	dma.local @!p0 [hbm:s0], s1  }
0xb7: {  	s0 =	simm.s32 @!p0 $0x15  }
0xb8: {  	_ =	swait.ge @!p0 [sflag:s0], s1  }
0xb9: {  	s1 =	ssub.s32 @!p0 $0x0, s1;
	[sflag:s0] =	ssyncset.done @!p0 $0x0  }
0xba: {  	[sflag:s0] =	ssyncadd.s32 @!p0 s1  }
0xbb: {  	[bflag:$0x3] =	sbarrier.arrive $0xFFFF  }
0xbc: {  	_ =	shalt  }

</sc_bundles>
